<compile_context>
chip_gen: v7x
topology: tpu7x:2x2x1
jax: 0.10.2.dev20260603
libtpu: 0.0.44.dev20260713+nightly
codegen_flags: <defaults>
</compile_context>

<pallas_src>
import functools

import jax
import jax.numpy as jnp
from jax import lax
from jax.experimental import pallas as pl
from jax.experimental.pallas import tpu as pltpu
from jax.experimental.pallas import tpu_sc as plsc

VOCAB = 1000000
D = 64
SCALE = 8.0

NC = 2
NS = 16
NW = NC * NS

CHUNK = 512


def _make_emb(B: int):
    assert B % (NW * 2 * CHUNK) == 0
    b_per_w = B // NW
    n_chunks = b_per_w // CHUNK
    mesh = plsc.VectorSubcoreMesh(
        core_axis_name="c", subcore_axis_name="s", num_cores=NC, num_subcores=NS
    )

    @functools.partial(
        pl.kernel,
        mesh=mesh,
        out_type=jax.ShapeDtypeStruct((B, D), jnp.float32),
        scratch_types=[
            pltpu.VMEM((CHUNK,), jnp.int32),
            pltpu.VMEM((CHUNK,), jnp.int32),
            pltpu.VMEM((CHUNK, D), jnp.float32),
            pltpu.VMEM((CHUNK, D), jnp.float32),
            pltpu.SemaphoreType.DMA,
            pltpu.SemaphoreType.DMA,
            pltpu.SemaphoreType.DMA,
            pltpu.SemaphoreType.DMA,
        ],
        compiler_params=pltpu.CompilerParams(use_tc_tiling_on_sc=False),
    )
    def emb(idx_hbm, table_hbm, out_hbm, idx0, idx1, rows0, rows1,
            gsem0, gsem1, osem0, osem1):
        wid = lax.axis_index("s") * NC + lax.axis_index("c")
        wbase = wid * b_per_w

        idx_v = (idx0, idx1)
        rows_v = (rows0, rows1)
        gsem = (gsem0, gsem1)
        osem = (osem0, osem1)

        def stage_and_gather(g, b):
            base = wbase + g * CHUNK
            pltpu.sync_copy(idx_hbm.at[pl.ds(base, CHUNK)], idx_v[b])
            pltpu.async_copy(table_hbm.at[idx_v[b]], rows_v[b], gsem[b])

        def scale_buf(b):
            def scale_row(i, c2):
                for j in range(D // 16):
                    sl = (i, pl.ds(j * 16, 16))
                    rows_v[b][sl] = rows_v[b][sl] * SCALE
                return c2

            lax.fori_loop(0, CHUNK, scale_row, 0, unroll=4)

        stage_and_gather(0, 0)

        def pair_body(g0, carry):
            for b in (0, 1):
                g = g0 + b
                nb = 1 - b

                @pl.when(g >= 1)
                def _():
                    pltpu.make_async_copy(
                        rows_v[nb],
                        out_hbm.at[pl.ds(wbase + (g - 1) * CHUNK, CHUNK)],
                        osem[nb],
                    ).wait()

                @pl.when(g + 1 < n_chunks)
                def _():
                    stage_and_gather(g + 1, nb)

                pltpu.make_async_copy(
                    table_hbm.at[idx_v[b]], rows_v[b], gsem[b]
                ).wait()
                scale_buf(b)
                pltpu.async_copy(
                    rows_v[b], out_hbm.at[pl.ds(wbase + g * CHUNK, CHUNK)], osem[b]
                )
            return carry

        lax.fori_loop(0, n_chunks // 2, lambda t, c: pair_body(t * 2, c), 0)

        pltpu.make_async_copy(
            rows_v[1],
            out_hbm.at[pl.ds(wbase + (n_chunks - 1) * CHUNK, CHUNK)],
            osem[1],
        ).wait()

    return emb


def kernel(x, table):
    S0, S1 = x.shape
    B = S0 * S1
    idx = x.reshape(B)
    out = _make_emb(B)(idx, table)
    return out.reshape(S0, S1, D)

# --- scband reference (transcript-rebuilt; emitter-appended) ---
"""Pipeline reference for scband-embeddings-39625368273151 (READ-ONLY COPY).

The authoritative reference and input builder live on the scoring server;
editing this copy changes nothing except your own understanding.
"""

import jax, jax.numpy as jnp
import numpy as np

VOCAB = 1000000
HIDDEN_DIM = 64
PADDING_IDX = 3


def setup_inputs(seed: int = 0) -> dict:
    key = jax.random.key(seed)
    k1, k2 = jax.random.split(key)
    x = jax.random.randint(k1, (4096, 200), 0, VOCAB, dtype=jnp.int32)
    table = jax.random.normal(k2, (VOCAB, HIDDEN_DIM), dtype=jnp.float32)
    # nn.Embedding with padding_idx=3 initializes that row to zero
    table = table.at[PADDING_IDX].set(0.0)
    return {"x": x, "table": table}


def reference(x, table):
    # embeddings.forward: self.weights(x) * sqrt(hidden_dim)
    emb = jnp.take(table, x, axis=0)
    return emb * jnp.sqrt(jnp.float32(HIDDEN_DIM))

if __name__ == "__main__":
    import jax
    _d = setup_inputs()
    print(jax.jit(kernel)(*tuple(_d.values())))

</pallas_src>

<mosaic_0001>
#map = affine_map<(d0, d1) -> (0)>
#map1 = affine_map<(d0, d1) -> (0, 0)>
module attributes {stable_mosaic.version = 14 : i64} {
  func.func @emb(%arg0: i32, %arg1: i32, %arg2: memref<819200xi32, #tpu.memory_space<hbm>>, %arg3: memref<1000000x64xf32, #tpu.memory_space<hbm>>, %arg4: memref<819200x64xf32, #tpu.memory_space<hbm>>, %arg5: memref<512xi32, #tpu.memory_space<vmem>>, %arg6: memref<512xi32, #tpu.memory_space<vmem>>, %arg7: memref<512x64xf32, #tpu.memory_space<vmem>>, %arg8: memref<512x64xf32, #tpu.memory_space<vmem>>, %arg9: memref<!tpu.dma_semaphore, #tpu.memory_space<semaphore_mem>>, %arg10: memref<!tpu.dma_semaphore, #tpu.memory_space<semaphore_mem>>, %arg11: memref<!tpu.dma_semaphore, #tpu.memory_space<semaphore_mem>>, %arg12: memref<!tpu.dma_semaphore, #tpu.memory_space<semaphore_mem>>) attributes {dimension_semantics = [#tpu.dimension_semantics<core_parallel>, #tpu.dimension_semantics<subcore_parallel>], iteration_bounds = array<i64: 2, 16>, scalar_prefetch = 0 : i64, scratch_operands = 8 : i64, tpu.core_type = #tpu.core_type<sc_vector_subcore>, window_params = [{transform_indices = #map}, {transform_indices = #map1}, {transform_indices = #map1}]} {
    %mul3A = arith.constant 2 : i32
    %mul3A_0 = arith.muli %arg1, %mul3A : i32
    %add3A = arith.addi %mul3A_0, %arg0 : i32
    %mul3A_1 = arith.constant 25600 : i32
    %mul3A_2 = arith.muli %add3A, %mul3A_1 : i32
    %add3A_3 = arith.constant 0 : i32
    %add3A_4 = arith.addi %mul3A_2, %add3A_3 : i32
    "tpu.region"() ({
      %run_scoped3A = tpu.sem_alloc : memref<!tpu.dma_semaphore, #tpu.memory_space<semaphore_mem>>
      %dma_start3A_17 = tpu.memref_slice %arg2[%add3A_4] : memref<819200xi32, #tpu.memory_space<hbm>> -> memref<512xi32, #tpu.memory_space<hbm>>
      %dma_start3A_18 = tpu.memref_slice %arg2[%add3A_4] : memref<819200xi32, #tpu.memory_space<hbm>> -> memref<512xi32, #tpu.memory_space<hbm>>
      tpu.enqueue_dma source(%dma_start3A_18 : memref<512xi32, #tpu.memory_space<hbm>>) target(%arg5 : memref<512xi32, #tpu.memory_space<vmem>>) target_semaphore(%run_scoped3A : memref<!tpu.dma_semaphore, #tpu.memory_space<semaphore_mem>>)
      %dma_wait3A_19 = tpu.memref_slice %arg2[%add3A_4] : memref<819200xi32, #tpu.memory_space<hbm>> -> memref<512xi32, #tpu.memory_space<hbm>>
      %dma_wait3A_20 = tpu.memref_slice %arg2[%add3A_4] : memref<819200xi32, #tpu.memory_space<hbm>> -> memref<512xi32, #tpu.memory_space<hbm>>
      tpu.wait_dma2 semaphore(%run_scoped3A : memref<!tpu.dma_semaphore, #tpu.memory_space<semaphore_mem>>) src(%dma_wait3A_20 : memref<512xi32, #tpu.memory_space<hbm>>) dst(%arg5 : memref<512xi32, #tpu.memory_space<vmem>>)
      tpu.yield
    }) : () -> ()
    %dma_start3A = arith.constant 0 : i32
    %dma_start3A_5 = arith.constant 0 : i32
    %dma_start3A_6 = tpu.memref_slice %arg3[%dma_start3A, %dma_start3A_5] : memref<1000000x64xf32, #tpu.memory_space<hbm>> -> memref<1000000x64xf32, #tpu.memory_space<hbm>>
    tpu.enqueue_indirect_dma source(%dma_start3A_6 : memref<1000000x64xf32, #tpu.memory_space<hbm>>) target(%arg7 : memref<512x64xf32, #tpu.memory_space<vmem>>) offsets(%arg5 : memref<512xi32, #tpu.memory_space<vmem>>) semaphore(%arg9 : memref<!tpu.dma_semaphore, #tpu.memory_space<semaphore_mem>>)
    %scan3A = arith.constant 0 : i32
    %scan3A_7 = arith.constant 0 : i32
    %scan3A_8 = arith.constant 25 : i32
    %scan3A_9 = arith.addi %scan3A_7, %scan3A_8 : i32
    %scan3A_10 = arith.constant 1 : i32
    scf.for %scan3A_17 = %scan3A_7 to %scan3A_9 step %scan3A_10  : i32 {
      %mul3A_18 = arith.constant 2 : i32
      %mul3A_19 = arith.muli %scan3A_17, %mul3A_18 : i32
      %add3A_20 = arith.constant 0 : i32
      %add3A_21 = arith.addi %mul3A_19, %add3A_20 : i32
      %ge3A = arith.constant 1 : i32
      %ge3A_22 = arith.cmpi sge, %add3A_21, %ge3A : i32
      %convert_element_type3A = arith.extui %ge3A_22 : i1 to i32
      %cond3A = arith.constant 0 : i32
      %cond3A_23 = arith.cmpi ne, %convert_element_type3A, %cond3A : i32
      scf.if %cond3A_23 {
        %sub3A = arith.constant 1 : i32
        %sub3A_76 = arith.subi %add3A_21, %sub3A : i32
        %mul3A_77 = arith.constant 512 : i32
        %mul3A_78 = arith.muli %sub3A_76, %mul3A_77 : i32
        %add3A_79 = arith.addi %mul3A_2, %mul3A_78 : i32
        %dma_wait3A_80 = arith.constant 0 : i32
        %dma_wait3A_81 = tpu.memref_slice %arg4[%add3A_79, %dma_wait3A_80] : memref<819200x64xf32, #tpu.memory_space<hbm>> -> memref<512x64xf32, #tpu.memory_space<hbm>>
        %dma_wait3A_82 = arith.constant 0 : i32
        %dma_wait3A_83 = tpu.memref_slice %arg4[%add3A_79, %dma_wait3A_82] : memref<819200x64xf32, #tpu.memory_space<hbm>> -> memref<512x64xf32, #tpu.memory_space<hbm>>
        tpu.wait_dma2 semaphore(%arg12 : memref<!tpu.dma_semaphore, #tpu.memory_space<semaphore_mem>>) src(%arg8 : memref<512x64xf32, #tpu.memory_space<vmem>>) dst(%dma_wait3A_83 : memref<512x64xf32, #tpu.memory_space<hbm>>)
      } else {
      }
      %add3A_24 = arith.constant 1 : i32
      %add3A_25 = arith.addi %add3A_21, %add3A_24 : i32
      %lt3A = arith.constant 50 : i32
      %lt3A_26 = arith.cmpi slt, %add3A_25, %lt3A : i32
      %convert_element_type3A_27 = arith.extui %lt3A_26 : i1 to i32
      %cond3A_28 = arith.constant 0 : i32
      %cond3A_29 = arith.cmpi ne, %convert_element_type3A_27, %cond3A_28 : i32
      scf.if %cond3A_29 {
        %add3A_76 = arith.constant 1 : i32
        %add3A_77 = arith.addi %add3A_21, %add3A_76 : i32
        %mul3A_78 = arith.constant 512 : i32
        %mul3A_79 = arith.muli %add3A_77, %mul3A_78 : i32
        %add3A_80 = arith.addi %mul3A_2, %mul3A_79 : i32
        "tpu.region"() ({
          %run_scoped3A = tpu.sem_alloc : memref<!tpu.dma_semaphore, #tpu.memory_space<semaphore_mem>>
          %dma_start3A_84 = tpu.memref_slice %arg2[%add3A_80] : memref<819200xi32, #tpu.memory_space<hbm>> -> memref<512xi32, #tpu.memory_space<hbm>>
          %dma_start3A_85 = tpu.memref_slice %arg2[%add3A_80] : memref<819200xi32, #tpu.memory_space<hbm>> -> memref<512xi32, #tpu.memory_space<hbm>>
          tpu.enqueue_dma source(%dma_start3A_85 : memref<512xi32, #tpu.memory_space<hbm>>) target(%arg6 : memref<512xi32, #tpu.memory_space<vmem>>) target_semaphore(%run_scoped3A : memref<!tpu.dma_semaphore, #tpu.memory_space<semaphore_mem>>)
          %dma_wait3A_86 = tpu.memref_slice %arg2[%add3A_80] : memref<819200xi32, #tpu.memory_space<hbm>> -> memref<512xi32, #tpu.memory_space<hbm>>
          %dma_wait3A_87 = tpu.memref_slice %arg2[%add3A_80] : memref<819200xi32, #tpu.memory_space<hbm>> -> memref<512xi32, #tpu.memory_space<hbm>>
          tpu.wait_dma2 semaphore(%run_scoped3A : memref<!tpu.dma_semaphore, #tpu.memory_space<semaphore_mem>>) src(%dma_wait3A_87 : memref<512xi32, #tpu.memory_space<hbm>>) dst(%arg6 : memref<512xi32, #tpu.memory_space<vmem>>)
          tpu.yield
        }) : () -> ()
        %dma_start3A_81 = arith.constant 0 : i32
        %dma_start3A_82 = arith.constant 0 : i32
        %dma_start3A_83 = tpu.memref_slice %arg3[%dma_start3A_81, %dma_start3A_82] : memref<1000000x64xf32, #tpu.memory_space<hbm>> -> memref<1000000x64xf32, #tpu.memory_space<hbm>>
        tpu.enqueue_indirect_dma source(%dma_start3A_83 : memref<1000000x64xf32, #tpu.memory_space<hbm>>) target(%arg8 : memref<512x64xf32, #tpu.memory_space<vmem>>) offsets(%arg6 : memref<512xi32, #tpu.memory_space<vmem>>) semaphore(%arg10 : memref<!tpu.dma_semaphore, #tpu.memory_space<semaphore_mem>>)
      } else {
      }
      %dma_wait3A_30 = arith.constant 0 : i32
      %dma_wait3A_31 = arith.constant 0 : i32
      %dma_wait3A_32 = tpu.memref_slice %arg3[%dma_wait3A_30, %dma_wait3A_31] : memref<1000000x64xf32, #tpu.memory_space<hbm>> -> memref<1000000x64xf32, #tpu.memory_space<hbm>>
      tpu.wait_indirect_dma semaphore(%arg9 : memref<!tpu.dma_semaphore, #tpu.memory_space<semaphore_mem>>) src(%dma_wait3A_32 : memref<1000000x64xf32, #tpu.memory_space<hbm>>) dst(%arg7 : memref<512x64xf32, #tpu.memory_space<vmem>>)
      %scan3A_33 = arith.constant 0 : i32
      %scan3A_34 = arith.constant 0 : i32
      %scan3A_35 = arith.constant 512 : i32
      %scan3A_36 = arith.addi %scan3A_34, %scan3A_35 : i32
      %scan3A_37 = arith.constant 4 : i32
      scf.for %scan3A_76 = %scan3A_34 to %scan3A_36 step %scan3A_37  : i32 {
        %get3A = arith.index_cast %scan3A_76 : i32 to index
        %get3A_77 = arith.constant 0 : index
        %get3A_78 = tpu.vector_load %arg7[%get3A, %get3A_77] {strides = array<i32>} : memref<512x64xf32, #tpu.memory_space<vmem>>, vector<1x16xf32>,
        %get3A_79 = vector.shape_cast %get3A_78 : vector<1x16xf32> to vector<16xf32>
        %mul3A_80 = arith.constant 8.000000e+00 : f32
        %mul3A_81 = vector.broadcast %mul3A_80 : f32 to vector<16xf32>
        %mul3A_82 = arith.mulf %get3A_79, %mul3A_81 : vector<16xf32>
        %swap3A = arith.index_cast %scan3A_76 : i32 to index
        %swap3A_83 = arith.constant 0 : index
        %swap3A_84 = tpu.vector_load %arg7[%swap3A, %swap3A_83] {strides = array<i32>} : memref<512x64xf32, #tpu.memory_space<vmem>>, vector<1x16xf32>,
        %swap3A_85 = vector.shape_cast %swap3A_84 : vector<1x16xf32> to vector<16xf32>
        %swap3A_86 = vector.shape_cast %mul3A_82 : vector<16xf32> to vector<1x16xf32>
        tpu.vector_store %arg7[%swap3A, %swap3A_83], %swap3A_86 {strides = array<i32>} : memref<512x64xf32, #tpu.memory_space<vmem>>, vector<1x16xf32>,
        %get3A_87 = arith.index_cast %scan3A_76 : i32 to index
        %get3A_88 = arith.constant 16 : index
        %get3A_89 = tpu.vector_load %arg7[%get3A_87, %get3A_88] {strides = array<i32>} : memref<512x64xf32, #tpu.memory_space<vmem>>, vector<1x16xf32>,
        %get3A_90 = vector.shape_cast %get3A_89 : vector<1x16xf32> to vector<16xf32>
        %mul3A_91 = arith.constant 8.000000e+00 : f32
        %mul3A_92 = vector.broadcast %mul3A_91 : f32 to vector<16xf32>
        %mul3A_93 = arith.mulf %get3A_90, %mul3A_92 : vector<16xf32>
        %swap3A_94 = arith.index_cast %scan3A_76 : i32 to index
        %swap3A_95 = arith.constant 16 : index
        %swap3A_96 = tpu.vector_load %arg7[%swap3A_94, %swap3A_95] {strides = array<i32>} : memref<512x64xf32, #tpu.memory_space<vmem>>, vector<1x16xf32>,
        %swap3A_97 = vector.shape_cast %swap3A_96 : vector<1x16xf32> to vector<16xf32>
        %swap3A_98 = vector.shape_cast %mul3A_93 : vector<16xf32> to vector<1x16xf32>
        tpu.vector_store %arg7[%swap3A_94, %swap3A_95], %swap3A_98 {strides = array<i32>} : memref<512x64xf32, #tpu.memory_space<vmem>>, vector<1x16xf32>,
        %get3A_99 = arith.index_cast %scan3A_76 : i32 to index
        %get3A_100 = arith.constant 32 : index
        %get3A_101 = tpu.vector_load %arg7[%get3A_99, %get3A_100] {strides = array<i32>} : memref<512x64xf32, #tpu.memory_space<vmem>>, vector<1x16xf32>,
        %get3A_102 = vector.shape_cast %get3A_101 : vector<1x16xf32> to vector<16xf32>
        %mul3A_103 = arith.constant 8.000000e+00 : f32
        %mul3A_104 = vector.broadcast %mul3A_103 : f32 to vector<16xf32>
        %mul3A_105 = arith.mulf %get3A_102, %mul3A_104 : vector<16xf32>
        %swap3A_106 = arith.index_cast %scan3A_76 : i32 to index
        %swap3A_107 = arith.constant 32 : index
        %swap3A_108 = tpu.vector_load %arg7[%swap3A_106, %swap3A_107] {strides = array<i32>} : memref<512x64xf32, #tpu.memory_space<vmem>>, vector<1x16xf32>,
        %swap3A_109 = vector.shape_cast %swap3A_108 : vector<1x16xf32> to vector<16xf32>
        %swap3A_110 = vector.shape_cast %mul3A_105 : vector<16xf32> to vector<1x16xf32>
        tpu.vector_store %arg7[%swap3A_106, %swap3A_107], %swap3A_110 {strides = array<i32>} : memref<512x64xf32, #tpu.memory_space<vmem>>, vector<1x16xf32>,
        %get3A_111 = arith.index_cast %scan3A_76 : i32 to index
        %get3A_112 = arith.constant 48 : index
        %get3A_113 = tpu.vector_load %arg7[%get3A_111, %get3A_112] {strides = array<i32>} : memref<512x64xf32, #tpu.memory_space<vmem>>, vector<1x16xf32>,
        %get3A_114 = vector.shape_cast %get3A_113 : vector<1x16xf32> to vector<16xf32>
        %mul3A_115 = arith.constant 8.000000e+00 : f32
        %mul3A_116 = vector.broadcast %mul3A_115 : f32 to vector<16xf32>
        %mul3A_117 = arith.mulf %get3A_114, %mul3A_116 : vector<16xf32>
        %swap3A_118 = arith.index_cast %scan3A_76 : i32 to index
        %swap3A_119 = arith.constant 48 : index
        %swap3A_120 = tpu.vector_load %arg7[%swap3A_118, %swap3A_119] {strides = array<i32>} : memref<512x64xf32, #tpu.memory_space<vmem>>, vector<1x16xf32>,
        %swap3A_121 = vector.shape_cast %swap3A_120 : vector<1x16xf32> to vector<16xf32>
        %swap3A_122 = vector.shape_cast %mul3A_117 : vector<16xf32> to vector<1x16xf32>
        tpu.vector_store %arg7[%swap3A_118, %swap3A_119], %swap3A_122 {strides = array<i32>} : memref<512x64xf32, #tpu.memory_space<vmem>>, vector<1x16xf32>,
        %scan3A_123 = arith.constant 1 : i32
        %scan3A_124 = arith.addi %scan3A_76, %scan3A_123 : i32
        %get3A_125 = arith.index_cast %scan3A_124 : i32 to index
        %get3A_126 = arith.constant 0 : index
        %get3A_127 = tpu.vector_load %arg7[%get3A_125, %get3A_126] {strides = array<i32>} : memref<512x64xf32, #tpu.memory_space<vmem>>, vector<1x16xf32>,
        %get3A_128 = vector.shape_cast %get3A_127 : vector<1x16xf32> to vector<16xf32>
        %mul3A_129 = arith.constant 8.000000e+00 : f32
        %mul3A_130 = vector.broadcast %mul3A_129 : f32 to vector<16xf32>
        %mul3A_131 = arith.mulf %get3A_128, %mul3A_130 : vector<16xf32>
        %swap3A_132 = arith.index_cast %scan3A_124 : i32 to index
        %swap3A_133 = arith.constant 0 : index
        %swap3A_134 = tpu.vector_load %arg7[%swap3A_132, %swap3A_133] {strides = array<i32>} : memref<512x64xf32, #tpu.memory_space<vmem>>, vector<1x16xf32>,
        %swap3A_135 = vector.shape_cast %swap3A_134 : vector<1x16xf32> to vector<16xf32>
        %swap3A_136 = vector.shape_cast %mul3A_131 : vector<16xf32> to vector<1x16xf32>
        tpu.vector_store %arg7[%swap3A_132, %swap3A_133], %swap3A_136 {strides = array<i32>} : memref<512x64xf32, #tpu.memory_space<vmem>>, vector<1x16xf32>,
        %get3A_137 = arith.index_cast %scan3A_124 : i32 to index
        %get3A_138 = arith.constant 16 : index
        %get3A_139 = tpu.vector_load %arg7[%get3A_137, %get3A_138] {strides = array<i32>} : memref<512x64xf32, #tpu.memory_space<vmem>>, vector<1x16xf32>,
        %get3A_140 = vector.shape_cast %get3A_139 : vector<1x16xf32> to vector<16xf32>
        %mul3A_141 = arith.constant 8.000000e+00 : f32
        %mul3A_142 = vector.broadcast %mul3A_141 : f32 to vector<16xf32>
        %mul3A_143 = arith.mulf %get3A_140, %mul3A_142 : vector<16xf32>
        %swap3A_144 = arith.index_cast %scan3A_124 : i32 to index
        %swap3A_145 = arith.constant 16 : index
        %swap3A_146 = tpu.vector_load %arg7[%swap3A_144, %swap3A_145] {strides = array<i32>} : memref<512x64xf32, #tpu.memory_space<vmem>>, vector<1x16xf32>,
        %swap3A_147 = vector.shape_cast %swap3A_146 : vector<1x16xf32> to vector<16xf32>
        %swap3A_148 = vector.shape_cast %mul3A_143 : vector<16xf32> to vector<1x16xf32>
        tpu.vector_store %arg7[%swap3A_144, %swap3A_145], %swap3A_148 {strides = array<i32>} : memref<512x64xf32, #tpu.memory_space<vmem>>, vector<1x16xf32>,
        %get3A_149 = arith.index_cast %scan3A_124 : i32 to index
        %get3A_150 = arith.constant 32 : index
        %get3A_151 = tpu.vector_load %arg7[%get3A_149, %get3A_150] {strides = array<i32>} : memref<512x64xf32, #tpu.memory_space<vmem>>, vector<1x16xf32>,
        %get3A_152 = vector.shape_cast %get3A_151 : vector<1x16xf32> to vector<16xf32>
        %mul3A_153 = arith.constant 8.000000e+00 : f32
        %mul3A_154 = vector.broadcast %mul3A_153 : f32 to vector<16xf32>
        %mul3A_155 = arith.mulf %get3A_152, %mul3A_154 : vector<16xf32>
        %swap3A_156 = arith.index_cast %scan3A_124 : i32 to index
        %swap3A_157 = arith.constant 32 : index
        %swap3A_158 = tpu.vector_load %arg7[%swap3A_156, %swap3A_157] {strides = array<i32>} : memref<512x64xf32, #tpu.memory_space<vmem>>, vector<1x16xf32>,
        %swap3A_159 = vector.shape_cast %swap3A_158 : vector<1x16xf32> to vector<16xf32>
        %swap3A_160 = vector.shape_cast %mul3A_155 : vector<16xf32> to vector<1x16xf32>
        tpu.vector_store %arg7[%swap3A_156, %swap3A_157], %swap3A_160 {strides = array<i32>} : memref<512x64xf32, #tpu.memory_space<vmem>>, vector<1x16xf32>,
        %get3A_161 = arith.index_cast %scan3A_124 : i32 to index
        %get3A_162 = arith.constant 48 : index
        %get3A_163 = tpu.vector_load %arg7[%get3A_161, %get3A_162] {strides = array<i32>} : memref<512x64xf32, #tpu.memory_space<vmem>>, vector<1x16xf32>,
        %get3A_164 = vector.shape_cast %get3A_163 : vector<1x16xf32> to vector<16xf32>
        %mul3A_165 = arith.constant 8.000000e+00 : f32
        %mul3A_166 = vector.broadcast %mul3A_165 : f32 to vector<16xf32>
        %mul3A_167 = arith.mulf %get3A_164, %mul3A_166 : vector<16xf32>
        %swap3A_168 = arith.index_cast %scan3A_124 : i32 to index
        %swap3A_169 = arith.constant 48 : index
        %swap3A_170 = tpu.vector_load %arg7[%swap3A_168, %swap3A_169] {strides = array<i32>} : memref<512x64xf32, #tpu.memory_space<vmem>>, vector<1x16xf32>,
        %swap3A_171 = vector.shape_cast %swap3A_170 : vector<1x16xf32> to vector<16xf32>
        %swap3A_172 = vector.shape_cast %mul3A_167 : vector<16xf32> to vector<1x16xf32>
        tpu.vector_store %arg7[%swap3A_168, %swap3A_169], %swap3A_172 {strides = array<i32>} : memref<512x64xf32, #tpu.memory_space<vmem>>, vector<1x16xf32>,
        %scan3A_173 = arith.constant 2 : i32
        %scan3A_174 = arith.addi %scan3A_76, %scan3A_173 : i32
        %get3A_175 = arith.index_cast %scan3A_174 : i32 to index
        %get3A_176 = arith.constant 0 : index
        %get3A_177 = tpu.vector_load %arg7[%get3A_175, %get3A_176] {strides = array<i32>} : memref<512x64xf32, #tpu.memory_space<vmem>>, vector<1x16xf32>,
        %get3A_178 = vector.shape_cast %get3A_177 : vector<1x16xf32> to vector<16xf32>
        %mul3A_179 = arith.constant 8.000000e+00 : f32
        %mul3A_180 = vector.broadcast %mul3A_179 : f32 to vector<16xf32>
        %mul3A_181 = arith.mulf %get3A_178, %mul3A_180 : vector<16xf32>
        %swap3A_182 = arith.index_cast %scan3A_174 : i32 to index
        %swap3A_183 = arith.constant 0 : index
        %swap3A_184 = tpu.vector_load %arg7[%swap3A_182, %swap3A_183] {strides = array<i32>} : memref<512x64xf32, #tpu.memory_space<vmem>>, vector<1x16xf32>,
        %swap3A_185 = vector.shape_cast %swap3A_184 : vector<1x16xf32> to vector<16xf32>
        %swap3A_186 = vector.shape_cast %mul3A_181 : vector<16xf32> to vector<1x16xf32>
        tpu.vector_store %arg7[%swap3A_182, %swap3A_183], %swap3A_186 {strides = array<i32>} : memref<512x64xf32, #tpu.memory_space<vmem>>, vector<1x16xf32>,
        %get3A_187 = arith.index_cast %scan3A_174 : i32 to index
        %get3A_188 = arith.constant 16 : index
        %get3A_189 = tpu.vector_load %arg7[%get3A_187, %get3A_188] {strides = array<i32>} : memref<512x64xf32, #tpu.memory_space<vmem>>, vector<1x16xf32>,
        %get3A_190 = vector.shape_cast %get3A_189 : vector<1x16xf32> to vector<16xf32>
        %mul3A_191 = arith.constant 8.000000e+00 : f32
        %mul3A_192 = vector.broadcast %mul3A_191 : f32 to vector<16xf32>
        %mul3A_193 = arith.mulf %get3A_190, %mul3A_192 : vector<16xf32>
        %swap3A_194 = arith.index_cast %scan3A_174 : i32 to index
        %swap3A_195 = arith.constant 16 : index
        %swap3A_196 = tpu.vector_load %arg7[%swap3A_194, %swap3A_195] {strides = array<i32>} : memref<512x64xf32, #tpu.memory_space<vmem>>, vector<1x16xf32>,
        %swap3A_197 = vector.shape_cast %swap3A_196 : vector<1x16xf32> to vector<16xf32>
        %swap3A_198 = vector.shape_cast %mul3A_193 : vector<16xf32> to vector<1x16xf32>
        tpu.vector_store %arg7[%swap3A_194, %swap3A_195], %swap3A_198 {strides = array<i32>} : memref<512x64xf32, #tpu.memory_space<vmem>>, vector<1x16xf32>,
        %get3A_199 = arith.index_cast %scan3A_174 : i32 to index
        %get3A_200 = arith.constant 32 : index
        %get3A_201 = tpu.vector_load %arg7[%get3A_199, %get3A_200] {strides = array<i32>} : memref<512x64xf32, #tpu.memory_space<vmem>>, vector<1x16xf32>,
        %get3A_202 = vector.shape_cast %get3A_201 : vector<1x16xf32> to vector<16xf32>
        %mul3A_203 = arith.constant 8.000000e+00 : f32
        %mul3A_204 = vector.broadcast %mul3A_203 : f32 to vector<16xf32>
        %mul3A_205 = arith.mulf %get3A_202, %mul3A_204 : vector<16xf32>
        %swap3A_206 = arith.index_cast %scan3A_174 : i32 to index
        %swap3A_207 = arith.constant 32 : index
        %swap3A_208 = tpu.vector_load %arg7[%swap3A_206, %swap3A_207] {strides = array<i32>} : memref<512x64xf32, #tpu.memory_space<vmem>>, vector<1x16xf32>,
        %swap3A_209 = vector.shape_cast %swap3A_208 : vector<1x16xf32> to vector<16xf32>
        %swap3A_210 = vector.shape_cast %mul3A_205 : vector<16xf32> to vector<1x16xf32>
        tpu.vector_store %arg7[%swap3A_206, %swap3A_207], %swap3A_210 {strides = array<i32>} : memref<512x64xf32, #tpu.memory_space<vmem>>, vector<1x16xf32>,
        %get3A_211 = arith.index_cast %scan3A_174 : i32 to index
        %get3A_212 = arith.constant 48 : index
        %get3A_213 = tpu.vector_load %arg7[%get3A_211, %get3A_212] {strides = array<i32>} : memref<512x64xf32, #tpu.memory_space<vmem>>, vector<1x16xf32>,
        %get3A_214 = vector.shape_cast %get3A_213 : vector<1x16xf32> to vector<16xf32>
        %mul3A_215 = arith.constant 8.000000e+00 : f32
        %mul3A_216 = vector.broadcast %mul3A_215 : f32 to vector<16xf32>
        %mul3A_217 = arith.mulf %get3A_214, %mul3A_216 : vector<16xf32>
        %swap3A_218 = arith.index_cast %scan3A_174 : i32 to index
        %swap3A_219 = arith.constant 48 : index
        %swap3A_220 = tpu.vector_load %arg7[%swap3A_218, %swap3A_219] {strides = array<i32>} : memref<512x64xf32, #tpu.memory_space<vmem>>, vector<1x16xf32>,
        %swap3A_221 = vector.shape_cast %swap3A_220 : vector<1x16xf32> to vector<16xf32>
        %swap3A_222 = vector.shape_cast %mul3A_217 : vector<16xf32> to vector<1x16xf32>
        tpu.vector_store %arg7[%swap3A_218, %swap3A_219], %swap3A_222 {strides = array<i32>} : memref<512x64xf32, #tpu.memory_space<vmem>>, vector<1x16xf32>,
        %scan3A_223 = arith.constant 3 : i32
        %scan3A_224 = arith.addi %scan3A_76, %scan3A_223 : i32
        %get3A_225 = arith.index_cast %scan3A_224 : i32 to index
        %get3A_226 = arith.constant 0 : index
        %get3A_227 = tpu.vector_load %arg7[%get3A_225, %get3A_226] {strides = array<i32>} : memref<512x64xf32, #tpu.memory_space<vmem>>, vector<1x16xf32>,
        %get3A_228 = vector.shape_cast %get3A_227 : vector<1x16xf32> to vector<16xf32>
        %mul3A_229 = arith.constant 8.000000e+00 : f32
        %mul3A_230 = vector.broadcast %mul3A_229 : f32 to vector<16xf32>
        %mul3A_231 = arith.mulf %get3A_228, %mul3A_230 : vector<16xf32>
        %swap3A_232 = arith.index_cast %scan3A_224 : i32 to index
        %swap3A_233 = arith.constant 0 : index
        %swap3A_234 = tpu.vector_load %arg7[%swap3A_232, %swap3A_233] {strides = array<i32>} : memref<512x64xf32, #tpu.memory_space<vmem>>, vector<1x16xf32>,
        %swap3A_235 = vector.shape_cast %swap3A_234 : vector<1x16xf32> to vector<16xf32>
        %swap3A_236 = vector.shape_cast %mul3A_231 : vector<16xf32> to vector<1x16xf32>
        tpu.vector_store %arg7[%swap3A_232, %swap3A_233], %swap3A_236 {strides = array<i32>} : memref<512x64xf32, #tpu.memory_space<vmem>>, vector<1x16xf32>,
        %get3A_237 = arith.index_cast %scan3A_224 : i32 to index
        %get3A_238 = arith.constant 16 : index
        %get3A_239 = tpu.vector_load %arg7[%get3A_237, %get3A_238] {strides = array<i32>} : memref<512x64xf32, #tpu.memory_space<vmem>>, vector<1x16xf32>,
        %get3A_240 = vector.shape_cast %get3A_239 : vector<1x16xf32> to vector<16xf32>
        %mul3A_241 = arith.constant 8.000000e+00 : f32
        %mul3A_242 = vector.broadcast %mul3A_241 : f32 to vector<16xf32>
        %mul3A_243 = arith.mulf %get3A_240, %mul3A_242 : vector<16xf32>
        %swap3A_244 = arith.index_cast %scan3A_224 : i32 to index
        %swap3A_245 = arith.constant 16 : index
        %swap3A_246 = tpu.vector_load %arg7[%swap3A_244, %swap3A_245] {strides = array<i32>} : memref<512x64xf32, #tpu.memory_space<vmem>>, vector<1x16xf32>,
        %swap3A_247 = vector.shape_cast %swap3A_246 : vector<1x16xf32> to vector<16xf32>
        %swap3A_248 = vector.shape_cast %mul3A_243 : vector<16xf32> to vector<1x16xf32>
        tpu.vector_store %arg7[%swap3A_244, %swap3A_245], %swap3A_248 {strides = array<i32>} : memref<512x64xf32, #tpu.memory_space<vmem>>, vector<1x16xf32>,
        %get3A_249 = arith.index_cast %scan3A_224 : i32 to index
        %get3A_250 = arith.constant 32 : index
        %get3A_251 = tpu.vector_load %arg7[%get3A_249, %get3A_250] {strides = array<i32>} : memref<512x64xf32, #tpu.memory_space<vmem>>, vector<1x16xf32>,
        %get3A_252 = vector.shape_cast %get3A_251 : vector<1x16xf32> to vector<16xf32>
        %mul3A_253 = arith.constant 8.000000e+00 : f32
        %mul3A_254 = vector.broadcast %mul3A_253 : f32 to vector<16xf32>
        %mul3A_255 = arith.mulf %get3A_252, %mul3A_254 : vector<16xf32>
        %swap3A_256 = arith.index_cast %scan3A_224 : i32 to index
        %swap3A_257 = arith.constant 32 : index
        %swap3A_258 = tpu.vector_load %arg7[%swap3A_256, %swap3A_257] {strides = array<i32>} : memref<512x64xf32, #tpu.memory_space<vmem>>, vector<1x16xf32>,
        %swap3A_259 = vector.shape_cast %swap3A_258 : vector<1x16xf32> to vector<16xf32>
        %swap3A_260 = vector.shape_cast %mul3A_255 : vector<16xf32> to vector<1x16xf32>
        tpu.vector_store %arg7[%swap3A_256, %swap3A_257], %swap3A_260 {strides = array<i32>} : memref<512x64xf32, #tpu.memory_space<vmem>>, vector<1x16xf32>,
        %get3A_261 = arith.index_cast %scan3A_224 : i32 to index
        %get3A_262 = arith.constant 48 : index
        %get3A_263 = tpu.vector_load %arg7[%get3A_261, %get3A_262] {strides = array<i32>} : memref<512x64xf32, #tpu.memory_space<vmem>>, vector<1x16xf32>,
        %get3A_264 = vector.shape_cast %get3A_263 : vector<1x16xf32> to vector<16xf32>
        %mul3A_265 = arith.constant 8.000000e+00 : f32
        %mul3A_266 = vector.broadcast %mul3A_265 : f32 to vector<16xf32>
        %mul3A_267 = arith.mulf %get3A_264, %mul3A_266 : vector<16xf32>
        %swap3A_268 = arith.index_cast %scan3A_224 : i32 to index
        %swap3A_269 = arith.constant 48 : index
        %swap3A_270 = tpu.vector_load %arg7[%swap3A_268, %swap3A_269] {strides = array<i32>} : memref<512x64xf32, #tpu.memory_space<vmem>>, vector<1x16xf32>,
        %swap3A_271 = vector.shape_cast %swap3A_270 : vector<1x16xf32> to vector<16xf32>
        %swap3A_272 = vector.shape_cast %mul3A_267 : vector<16xf32> to vector<1x16xf32>
        tpu.vector_store %arg7[%swap3A_268, %swap3A_269], %swap3A_272 {strides = array<i32>} : memref<512x64xf32, #tpu.memory_space<vmem>>, vector<1x16xf32>,
      }
      %scan3A_38 = arith.constant 512 : i32
      %mul3A_39 = arith.constant 512 : i32
      %mul3A_40 = arith.muli %add3A_21, %mul3A_39 : i32
      %add3A_41 = arith.addi %mul3A_2, %mul3A_40 : i32
      %dma_start3A_42 = arith.constant 0 : i32
      %dma_start3A_43 = tpu.memref_slice %arg4[%add3A_41, %dma_start3A_42] : memref<819200x64xf32, #tpu.memory_space<hbm>> -> memref<512x64xf32, #tpu.memory_space<hbm>>
      %dma_start3A_44 = arith.constant 0 : i32
      %dma_start3A_45 = tpu.memref_slice %arg4[%add3A_41, %dma_start3A_44] : memref<819200x64xf32, #tpu.memory_space<hbm>> -> memref<512x64xf32, #tpu.memory_space<hbm>>
      tpu.enqueue_dma source(%arg7 : memref<512x64xf32, #tpu.memory_space<vmem>>) target(%dma_start3A_45 : memref<512x64xf32, #tpu.memory_space<hbm>>) target_semaphore(%arg11 : memref<!tpu.dma_semaphore, #tpu.memory_space<semaphore_mem>>)
      %add3A_46 = arith.constant 1 : i32
      %add3A_47 = arith.addi %mul3A_19, %add3A_46 : i32
      %ge3A_48 = arith.constant 1 : i32
      %ge3A_49 = arith.cmpi sge, %add3A_47, %ge3A_48 : i32
      %convert_element_type3A_50 = arith.extui %ge3A_49 : i1 to i32
      %cond3A_51 = arith.constant 0 : i32
      %cond3A_52 = arith.cmpi ne, %convert_element_type3A_50, %cond3A_51 : i32
      scf.if %cond3A_52 {
        %sub3A = arith.constant 1 : i32
        %sub3A_76 = arith.subi %add3A_47, %sub3A : i32
        %mul3A_77 = arith.constant 512 : i32
        %mul3A_78 = arith.muli %sub3A_76, %mul3A_77 : i32
        %add3A_79 = arith.addi %mul3A_2, %mul3A_78 : i32
        %dma_wait3A_80 = arith.constant 0 : i32
        %dma_wait3A_81 = tpu.memref_slice %arg4[%add3A_79, %dma_wait3A_80] : memref<819200x64xf32, #tpu.memory_space<hbm>> -> memref<512x64xf32, #tpu.memory_space<hbm>>
        %dma_wait3A_82 = arith.constant 0 : i32
        %dma_wait3A_83 = tpu.memref_slice %arg4[%add3A_79, %dma_wait3A_82] : memref<819200x64xf32, #tpu.memory_space<hbm>> -> memref<512x64xf32, #tpu.memory_space<hbm>>
        tpu.wait_dma2 semaphore(%arg11 : memref<!tpu.dma_semaphore, #tpu.memory_space<semaphore_mem>>) src(%arg7 : memref<512x64xf32, #tpu.memory_space<vmem>>) dst(%dma_wait3A_83 : memref<512x64xf32, #tpu.memory_space<hbm>>)
      } else {
      }
      %add3A_53 = arith.constant 1 : i32
      %add3A_54 = arith.addi %add3A_47, %add3A_53 : i32
      %lt3A_55 = arith.constant 50 : i32
      %lt3A_56 = arith.cmpi slt, %add3A_54, %lt3A_55 : i32
      %convert_element_type3A_57 = arith.extui %lt3A_56 : i1 to i32
      %cond3A_58 = arith.constant 0 : i32
      %cond3A_59 = arith.cmpi ne, %convert_element_type3A_57, %cond3A_58 : i32
      scf.if %cond3A_59 {
        %add3A_76 = arith.constant 1 : i32
        %add3A_77 = arith.addi %add3A_47, %add3A_76 : i32
        %mul3A_78 = arith.constant 512 : i32
        %mul3A_79 = arith.muli %add3A_77, %mul3A_78 : i32
        %add3A_80 = arith.addi %mul3A_2, %mul3A_79 : i32
        "tpu.region"() ({
          %run_scoped3A = tpu.sem_alloc : memref<!tpu.dma_semaphore, #tpu.memory_space<semaphore_mem>>
          %dma_start3A_84 = tpu.memref_slice %arg2[%add3A_80] : memref<819200xi32, #tpu.memory_space<hbm>> -> memref<512xi32, #tpu.memory_space<hbm>>
          %dma_start3A_85 = tpu.memref_slice %arg2[%add3A_80] : memref<819200xi32, #tpu.memory_space<hbm>> -> memref<512xi32, #tpu.memory_space<hbm>>
          tpu.enqueue_dma source(%dma_start3A_85 : memref<512xi32, #tpu.memory_space<hbm>>) target(%arg5 : memref<512xi32, #tpu.memory_space<vmem>>) target_semaphore(%run_scoped3A : memref<!tpu.dma_semaphore, #tpu.memory_space<semaphore_mem>>)
          %dma_wait3A_86 = tpu.memref_slice %arg2[%add3A_80] : memref<819200xi32, #tpu.memory_space<hbm>> -> memref<512xi32, #tpu.memory_space<hbm>>
          %dma_wait3A_87 = tpu.memref_slice %arg2[%add3A_80] : memref<819200xi32, #tpu.memory_space<hbm>> -> memref<512xi32, #tpu.memory_space<hbm>>
          tpu.wait_dma2 semaphore(%run_scoped3A : memref<!tpu.dma_semaphore, #tpu.memory_space<semaphore_mem>>) src(%dma_wait3A_87 : memref<512xi32, #tpu.memory_space<hbm>>) dst(%arg5 : memref<512xi32, #tpu.memory_space<vmem>>)
          tpu.yield
        }) : () -> ()
        %dma_start3A_81 = arith.constant 0 : i32
        %dma_start3A_82 = arith.constant 0 : i32
        %dma_start3A_83 = tpu.memref_slice %arg3[%dma_start3A_81, %dma_start3A_82] : memref<1000000x64xf32, #tpu.memory_space<hbm>> -> memref<1000000x64xf32, #tpu.memory_space<hbm>>
        tpu.enqueue_indirect_dma source(%dma_start3A_83 : memref<1000000x64xf32, #tpu.memory_space<hbm>>) target(%arg7 : memref<512x64xf32, #tpu.memory_space<vmem>>) offsets(%arg5 : memref<512xi32, #tpu.memory_space<vmem>>) semaphore(%arg9 : memref<!tpu.dma_semaphore, #tpu.memory_space<semaphore_mem>>)
      } else {
      }
      %dma_wait3A_60 = arith.constant 0 : i32
      %dma_wait3A_61 = arith.constant 0 : i32
      %dma_wait3A_62 = tpu.memref_slice %arg3[%dma_wait3A_60, %dma_wait3A_61] : memref<1000000x64xf32, #tpu.memory_space<hbm>> -> memref<1000000x64xf32, #tpu.memory_space<hbm>>
      tpu.wait_indirect_dma semaphore(%arg10 : memref<!tpu.dma_semaphore, #tpu.memory_space<semaphore_mem>>) src(%dma_wait3A_62 : memref<1000000x64xf32, #tpu.memory_space<hbm>>) dst(%arg8 : memref<512x64xf32, #tpu.memory_space<vmem>>)
      %scan3A_63 = arith.constant 0 : i32
      %scan3A_64 = arith.constant 0 : i32
      %scan3A_65 = arith.constant 512 : i32
      %scan3A_66 = arith.addi %scan3A_64, %scan3A_65 : i32
      %scan3A_67 = arith.constant 4 : i32
      scf.for %scan3A_76 = %scan3A_64 to %scan3A_66 step %scan3A_67  : i32 {
        %get3A = arith.index_cast %scan3A_76 : i32 to index
        %get3A_77 = arith.constant 0 : index
        %get3A_78 = tpu.vector_load %arg8[%get3A, %get3A_77] {strides = array<i32>} : memref<512x64xf32, #tpu.memory_space<vmem>>, vector<1x16xf32>,
        %get3A_79 = vector.shape_cast %get3A_78 : vector<1x16xf32> to vector<16xf32>
        %mul3A_80 = arith.constant 8.000000e+00 : f32
        %mul3A_81 = vector.broadcast %mul3A_80 : f32 to vector<16xf32>
        %mul3A_82 = arith.mulf %get3A_79, %mul3A_81 : vector<16xf32>
        %swap3A = arith.index_cast %scan3A_76 : i32 to index
        %swap3A_83 = arith.constant 0 : index
        %swap3A_84 = tpu.vector_load %arg8[%swap3A, %swap3A_83] {strides = array<i32>} : memref<512x64xf32, #tpu.memory_space<vmem>>, vector<1x16xf32>,
        %swap3A_85 = vector.shape_cast %swap3A_84 : vector<1x16xf32> to vector<16xf32>
        %swap3A_86 = vector.shape_cast %mul3A_82 : vector<16xf32> to vector<1x16xf32>
        tpu.vector_store %arg8[%swap3A, %swap3A_83], %swap3A_86 {strides = array<i32>} : memref<512x64xf32, #tpu.memory_space<vmem>>, vector<1x16xf32>,
        %get3A_87 = arith.index_cast %scan3A_76 : i32 to index
        %get3A_88 = arith.constant 16 : index
        %get3A_89 = tpu.vector_load %arg8[%get3A_87, %get3A_88] {strides = array<i32>} : memref<512x64xf32, #tpu.memory_space<vmem>>, vector<1x16xf32>,
        %get3A_90 = vector.shape_cast %get3A_89 : vector<1x16xf32> to vector<16xf32>
        %mul3A_91 = arith.constant 8.000000e+00 : f32
        %mul3A_92 = vector.broadcast %mul3A_91 : f32 to vector<16xf32>
        %mul3A_93 = arith.mulf %get3A_90, %mul3A_92 : vector<16xf32>
        %swap3A_94 = arith.index_cast %scan3A_76 : i32 to index
        %swap3A_95 = arith.constant 16 : index
        %swap3A_96 = tpu.vector_load %arg8[%swap3A_94, %swap3A_95] {strides = array<i32>} : memref<512x64xf32, #tpu.memory_space<vmem>>, vector<1x16xf32>,
        %swap3A_97 = vector.shape_cast %swap3A_96 : vector<1x16xf32> to vector<16xf32>
        %swap3A_98 = vector.shape_cast %mul3A_93 : vector<16xf32> to vector<1x16xf32>
        tpu.vector_store %arg8[%swap3A_94, %swap3A_95], %swap3A_98 {strides = array<i32>} : memref<512x64xf32, #tpu.memory_space<vmem>>, vector<1x16xf32>,
        %get3A_99 = arith.index_cast %scan3A_76 : i32 to index
        %get3A_100 = arith.constant 32 : index
        %get3A_101 = tpu.vector_load %arg8[%get3A_99, %get3A_100] {strides = array<i32>} : memref<512x64xf32, #tpu.memory_space<vmem>>, vector<1x16xf32>,
        %get3A_102 = vector.shape_cast %get3A_101 : vector<1x16xf32> to vector<16xf32>
        %mul3A_103 = arith.constant 8.000000e+00 : f32
        %mul3A_104 = vector.broadcast %mul3A_103 : f32 to vector<16xf32>
        %mul3A_105 = arith.mulf %get3A_102, %mul3A_104 : vector<16xf32>
        %swap3A_106 = arith.index_cast %scan3A_76 : i32 to index
        %swap3A_107 = arith.constant 32 : index
        %swap3A_108 = tpu.vector_load %arg8[%swap3A_106, %swap3A_107] {strides = array<i32>} : memref<512x64xf32, #tpu.memory_space<vmem>>, vector<1x16xf32>,
        %swap3A_109 = vector.shape_cast %swap3A_108 : vector<1x16xf32> to vector<16xf32>
        %swap3A_110 = vector.shape_cast %mul3A_105 : vector<16xf32> to vector<1x16xf32>
        tpu.vector_store %arg8[%swap3A_106, %swap3A_107], %swap3A_110 {strides = array<i32>} : memref<512x64xf32, #tpu.memory_space<vmem>>, vector<1x16xf32>,
        %get3A_111 = arith.index_cast %scan3A_76 : i32 to index
        %get3A_112 = arith.constant 48 : index
        %get3A_113 = tpu.vector_load %arg8[%get3A_111, %get3A_112] {strides = array<i32>} : memref<512x64xf32, #tpu.memory_space<vmem>>, vector<1x16xf32>,
        %get3A_114 = vector.shape_cast %get3A_113 : vector<1x16xf32> to vector<16xf32>
        %mul3A_115 = arith.constant 8.000000e+00 : f32
        %mul3A_116 = vector.broadcast %mul3A_115 : f32 to vector<16xf32>
        %mul3A_117 = arith.mulf %get3A_114, %mul3A_116 : vector<16xf32>
        %swap3A_118 = arith.index_cast %scan3A_76 : i32 to index
        %swap3A_119 = arith.constant 48 : index
        %swap3A_120 = tpu.vector_load %arg8[%swap3A_118, %swap3A_119] {strides = array<i32>} : memref<512x64xf32, #tpu.memory_space<vmem>>, vector<1x16xf32>,
        %swap3A_121 = vector.shape_cast %swap3A_120 : vector<1x16xf32> to vector<16xf32>
        %swap3A_122 = vector.shape_cast %mul3A_117 : vector<16xf32> to vector<1x16xf32>
        tpu.vector_store %arg8[%swap3A_118, %swap3A_119], %swap3A_122 {strides = array<i32>} : memref<512x64xf32, #tpu.memory_space<vmem>>, vector<1x16xf32>,
        %scan3A_123 = arith.constant 1 : i32
        %scan3A_124 = arith.addi %scan3A_76, %scan3A_123 : i32
        %get3A_125 = arith.index_cast %scan3A_124 : i32 to index
        %get3A_126 = arith.constant 0 : index
        %get3A_127 = tpu.vector_load %arg8[%get3A_125, %get3A_126] {strides = array<i32>} : memref<512x64xf32, #tpu.memory_space<vmem>>, vector<1x16xf32>,
        %get3A_128 = vector.shape_cast %get3A_127 : vector<1x16xf32> to vector<16xf32>
        %mul3A_129 = arith.constant 8.000000e+00 : f32
        %mul3A_130 = vector.broadcast %mul3A_129 : f32 to vector<16xf32>
        %mul3A_131 = arith.mulf %get3A_128, %mul3A_130 : vector<16xf32>
        %swap3A_132 = arith.index_cast %scan3A_124 : i32 to index
        %swap3A_133 = arith.constant 0 : index
        %swap3A_134 = tpu.vector_load %arg8[%swap3A_132, %swap3A_133] {strides = array<i32>} : memref<512x64xf32, #tpu.memory_space<vmem>>, vector<1x16xf32>,
        %swap3A_135 = vector.shape_cast %swap3A_134 : vector<1x16xf32> to vector<16xf32>
        %swap3A_136 = vector.shape_cast %mul3A_131 : vector<16xf32> to vector<1x16xf32>
        tpu.vector_store %arg8[%swap3A_132, %swap3A_133], %swap3A_136 {strides = array<i32>} : memref<512x64xf32, #tpu.memory_space<vmem>>, vector<1x16xf32>,
        %get3A_137 = arith.index_cast %scan3A_124 : i32 to index
        %get3A_138 = arith.constant 16 : index
        %get3A_139 = tpu.vector_load %arg8[%get3A_137, %get3A_138] {strides = array<i32>} : memref<512x64xf32, #tpu.memory_space<vmem>>, vector<1x16xf32>,
        %get3A_140 = vector.shape_cast %get3A_139 : vector<1x16xf32> to vector<16xf32>
        %mul3A_141 = arith.constant 8.000000e+00 : f32
        %mul3A_142 = vector.broadcast %mul3A_141 : f32 to vector<16xf32>
        %mul3A_143 = arith.mulf %get3A_140, %mul3A_142 : vector<16xf32>
        %swap3A_144 = arith.index_cast %scan3A_124 : i32 to index
        %swap3A_145 = arith.constant 16 : index
        %swap3A_146 = tpu.vector_load %arg8[%swap3A_144, %swap3A_145] {strides = array<i32>} : memref<512x64xf32, #tpu.memory_space<vmem>>, vector<1x16xf32>,
        %swap3A_147 = vector.shape_cast %swap3A_146 : vector<1x16xf32> to vector<16xf32>
        %swap3A_148 = vector.shape_cast %mul3A_143 : vector<16xf32> to vector<1x16xf32>
        tpu.vector_store %arg8[%swap3A_144, %swap3A_145], %swap3A_148 {strides = array<i32>} : memref<512x64xf32, #tpu.memory_space<vmem>>, vector<1x16xf32>,
        %get3A_149 = arith.index_cast %scan3A_124 : i32 to index
        %get3A_150 = arith.constant 32 : index
        %get3A_151 = tpu.vector_load %arg8[%get3A_149, %get3A_150] {strides = array<i32>} : memref<512x64xf32, #tpu.memory_space<vmem>>, vector<1x16xf32>,
        %get3A_152 = vector.shape_cast %get3A_151 : vector<1x16xf32> to vector<16xf32>
        %mul3A_153 = arith.constant 8.000000e+00 : f32
        %mul3A_154 = vector.broadcast %mul3A_153 : f32 to vector<16xf32>
        %mul3A_155 = arith.mulf %get3A_152, %mul3A_154 : vector<16xf32>
        %swap3A_156 = arith.index_cast %scan3A_124 : i32 to index
        %swap3A_157 = arith.constant 32 : index
        %swap3A_158 = tpu.vector_load %arg8[%swap3A_156, %swap3A_157] {strides = array<i32>} : memref<512x64xf32, #tpu.memory_space<vmem>>, vector<1x16xf32>,
        %swap3A_159 = vector.shape_cast %swap3A_158 : vector<1x16xf32> to vector<16xf32>
        %swap3A_160 = vector.shape_cast %mul3A_155 : vector<16xf32> to vector<1x16xf32>
        tpu.vector_store %arg8[%swap3A_156, %swap3A_157], %swap3A_160 {strides = array<i32>} : memref<512x64xf32, #tpu.memory_space<vmem>>, vector<1x16xf32>,
        %get3A_161 = arith.index_cast %scan3A_124 : i32 to index
        %get3A_162 = arith.constant 48 : index
        %get3A_163 = tpu.vector_load %arg8[%get3A_161, %get3A_162] {strides = array<i32>} : memref<512x64xf32, #tpu.memory_space<vmem>>, vector<1x16xf32>,
        %get3A_164 = vector.shape_cast %get3A_163 : vector<1x16xf32> to vector<16xf32>
        %mul3A_165 = arith.constant 8.000000e+00 : f32
        %mul3A_166 = vector.broadcast %mul3A_165 : f32 to vector<16xf32>
        %mul3A_167 = arith.mulf %get3A_164, %mul3A_166 : vector<16xf32>
        %swap3A_168 = arith.index_cast %scan3A_124 : i32 to index
        %swap3A_169 = arith.constant 48 : index
        %swap3A_170 = tpu.vector_load %arg8[%swap3A_168, %swap3A_169] {strides = array<i32>} : memref<512x64xf32, #tpu.memory_space<vmem>>, vector<1x16xf32>,
        %swap3A_171 = vector.shape_cast %swap3A_170 : vector<1x16xf32> to vector<16xf32>
        %swap3A_172 = vector.shape_cast %mul3A_167 : vector<16xf32> to vector<1x16xf32>
        tpu.vector_store %arg8[%swap3A_168, %swap3A_169], %swap3A_172 {strides = array<i32>} : memref<512x64xf32, #tpu.memory_space<vmem>>, vector<1x16xf32>,
        %scan3A_173 = arith.constant 2 : i32
        %scan3A_174 = arith.addi %scan3A_76, %scan3A_173 : i32
        %get3A_175 = arith.index_cast %scan3A_174 : i32 to index
        %get3A_176 = arith.constant 0 : index
        %get3A_177 = tpu.vector_load %arg8[%get3A_175, %get3A_176] {strides = array<i32>} : memref<512x64xf32, #tpu.memory_space<vmem>>, vector<1x16xf32>,
        %get3A_178 = vector.shape_cast %get3A_177 : vector<1x16xf32> to vector<16xf32>
        %mul3A_179 = arith.constant 8.000000e+00 : f32
        %mul3A_180 = vector.broadcast %mul3A_179 : f32 to vector<16xf32>
        %mul3A_181 = arith.mulf %get3A_178, %mul3A_180 : vector<16xf32>
        %swap3A_182 = arith.index_cast %scan3A_174 : i32 to index
        %swap3A_183 = arith.constant 0 : index
        %swap3A_184 = tpu.vector_load %arg8[%swap3A_182, %swap3A_183] {strides = array<i32>} : memref<512x64xf32, #tpu.memory_space<vmem>>, vector<1x16xf32>,
        %swap3A_185 = vector.shape_cast %swap3A_184 : vector<1x16xf32> to vector<16xf32>
        %swap3A_186 = vector.shape_cast %mul3A_181 : vector<16xf32> to vector<1x16xf32>
        tpu.vector_store %arg8[%swap3A_182, %swap3A_183], %swap3A_186 {strides = array<i32>} : memref<512x64xf32, #tpu.memory_space<vmem>>, vector<1x16xf32>,
        %get3A_187 = arith.index_cast %scan3A_174 : i32 to index
        %get3A_188 = arith.constant 16 : index
        %get3A_189 = tpu.vector_load %arg8[%get3A_187, %get3A_188] {strides = array<i32>} : memref<512x64xf32, #tpu.memory_space<vmem>>, vector<1x16xf32>,
        %get3A_190 = vector.shape_cast %get3A_189 : vector<1x16xf32> to vector<16xf32>
        %mul3A_191 = arith.constant 8.000000e+00 : f32
        %mul3A_192 = vector.broadcast %mul3A_191 : f32 to vector<16xf32>
        %mul3A_193 = arith.mulf %get3A_190, %mul3A_192 : vector<16xf32>
        %swap3A_194 = arith.index_cast %scan3A_174 : i32 to index
        %swap3A_195 = arith.constant 16 : index
        %swap3A_196 = tpu.vector_load %arg8[%swap3A_194, %swap3A_195] {strides = array<i32>} : memref<512x64xf32, #tpu.memory_space<vmem>>, vector<1x16xf32>,
        %swap3A_197 = vector.shape_cast %swap3A_196 : vector<1x16xf32> to vector<16xf32>
        %swap3A_198 = vector.shape_cast %mul3A_193 : vector<16xf32> to vector<1x16xf32>
        tpu.vector_store %arg8[%swap3A_194, %swap3A_195], %swap3A_198 {strides = array<i32>} : memref<512x64xf32, #tpu.memory_space<vmem>>, vector<1x16xf32>,
        %get3A_199 = arith.index_cast %scan3A_174 : i32 to index
        %get3A_200 = arith.constant 32 : index
        %get3A_201 = tpu.vector_load %arg8[%get3A_199, %get3A_200] {strides = array<i32>} : memref<512x64xf32, #tpu.memory_space<vmem>>, vector<1x16xf32>,
        %get3A_202 = vector.shape_cast %get3A_201 : vector<1x16xf32> to vector<16xf32>
        %mul3A_203 = arith.constant 8.000000e+00 : f32
        %mul3A_204 = vector.broadcast %mul3A_203 : f32 to vector<16xf32>
        %mul3A_205 = arith.mulf %get3A_202, %mul3A_204 : vector<16xf32>
        %swap3A_206 = arith.index_cast %scan3A_174 : i32 to index
        %swap3A_207 = arith.constant 32 : index
        %swap3A_208 = tpu.vector_load %arg8[%swap3A_206, %swap3A_207] {strides = array<i32>} : memref<512x64xf32, #tpu.memory_space<vmem>>, vector<1x16xf32>,
        %swap3A_209 = vector.shape_cast %swap3A_208 : vector<1x16xf32> to vector<16xf32>
        %swap3A_210 = vector.shape_cast %mul3A_205 : vector<16xf32> to vector<1x16xf32>
        tpu.vector_store %arg8[%swap3A_206, %swap3A_207], %swap3A_210 {strides = array<i32>} : memref<512x64xf32, #tpu.memory_space<vmem>>, vector<1x16xf32>,
        %get3A_211 = arith.index_cast %scan3A_174 : i32 to index
        %get3A_212 = arith.constant 48 : index
        %get3A_213 = tpu.vector_load %arg8[%get3A_211, %get3A_212] {strides = array<i32>} : memref<512x64xf32, #tpu.memory_space<vmem>>, vector<1x16xf32>,
        %get3A_214 = vector.shape_cast %get3A_213 : vector<1x16xf32> to vector<16xf32>
        %mul3A_215 = arith.constant 8.000000e+00 : f32
        %mul3A_216 = vector.broadcast %mul3A_215 : f32 to vector<16xf32>
        %mul3A_217 = arith.mulf %get3A_214, %mul3A_216 : vector<16xf32>
        %swap3A_218 = arith.index_cast %scan3A_174 : i32 to index
        %swap3A_219 = arith.constant 48 : index
        %swap3A_220 = tpu.vector_load %arg8[%swap3A_218, %swap3A_219] {strides = array<i32>} : memref<512x64xf32, #tpu.memory_space<vmem>>, vector<1x16xf32>,
        %swap3A_221 = vector.shape_cast %swap3A_220 : vector<1x16xf32> to vector<16xf32>
        %swap3A_222 = vector.shape_cast %mul3A_217 : vector<16xf32> to vector<1x16xf32>
        tpu.vector_store %arg8[%swap3A_218, %swap3A_219], %swap3A_222 {strides = array<i32>} : memref<512x64xf32, #tpu.memory_space<vmem>>, vector<1x16xf32>,
        %scan3A_223 = arith.constant 3 : i32
        %scan3A_224 = arith.addi %scan3A_76, %scan3A_223 : i32
        %get3A_225 = arith.index_cast %scan3A_224 : i32 to index
        %get3A_226 = arith.constant 0 : index
        %get3A_227 = tpu.vector_load %arg8[%get3A_225, %get3A_226] {strides = array<i32>} : memref<512x64xf32, #tpu.memory_space<vmem>>, vector<1x16xf32>,
        %get3A_228 = vector.shape_cast %get3A_227 : vector<1x16xf32> to vector<16xf32>
        %mul3A_229 = arith.constant 8.000000e+00 : f32
        %mul3A_230 = vector.broadcast %mul3A_229 : f32 to vector<16xf32>
        %mul3A_231 = arith.mulf %get3A_228, %mul3A_230 : vector<16xf32>
        %swap3A_232 = arith.index_cast %scan3A_224 : i32 to index
        %swap3A_233 = arith.constant 0 : index
        %swap3A_234 = tpu.vector_load %arg8[%swap3A_232, %swap3A_233] {strides = array<i32>} : memref<512x64xf32, #tpu.memory_space<vmem>>, vector<1x16xf32>,
        %swap3A_235 = vector.shape_cast %swap3A_234 : vector<1x16xf32> to vector<16xf32>
        %swap3A_236 = vector.shape_cast %mul3A_231 : vector<16xf32> to vector<1x16xf32>
        tpu.vector_store %arg8[%swap3A_232, %swap3A_233], %swap3A_236 {strides = array<i32>} : memref<512x64xf32, #tpu.memory_space<vmem>>, vector<1x16xf32>,
        %get3A_237 = arith.index_cast %scan3A_224 : i32 to index
        %get3A_238 = arith.constant 16 : index
        %get3A_239 = tpu.vector_load %arg8[%get3A_237, %get3A_238] {strides = array<i32>} : memref<512x64xf32, #tpu.memory_space<vmem>>, vector<1x16xf32>,
        %get3A_240 = vector.shape_cast %get3A_239 : vector<1x16xf32> to vector<16xf32>
        %mul3A_241 = arith.constant 8.000000e+00 : f32
        %mul3A_242 = vector.broadcast %mul3A_241 : f32 to vector<16xf32>
        %mul3A_243 = arith.mulf %get3A_240, %mul3A_242 : vector<16xf32>
        %swap3A_244 = arith.index_cast %scan3A_224 : i32 to index
        %swap3A_245 = arith.constant 16 : index
        %swap3A_246 = tpu.vector_load %arg8[%swap3A_244, %swap3A_245] {strides = array<i32>} : memref<512x64xf32, #tpu.memory_space<vmem>>, vector<1x16xf32>,
        %swap3A_247 = vector.shape_cast %swap3A_246 : vector<1x16xf32> to vector<16xf32>
        %swap3A_248 = vector.shape_cast %mul3A_243 : vector<16xf32> to vector<1x16xf32>
        tpu.vector_store %arg8[%swap3A_244, %swap3A_245], %swap3A_248 {strides = array<i32>} : memref<512x64xf32, #tpu.memory_space<vmem>>, vector<1x16xf32>,
        %get3A_249 = arith.index_cast %scan3A_224 : i32 to index
        %get3A_250 = arith.constant 32 : index
        %get3A_251 = tpu.vector_load %arg8[%get3A_249, %get3A_250] {strides = array<i32>} : memref<512x64xf32, #tpu.memory_space<vmem>>, vector<1x16xf32>,
        %get3A_252 = vector.shape_cast %get3A_251 : vector<1x16xf32> to vector<16xf32>
        %mul3A_253 = arith.constant 8.000000e+00 : f32
        %mul3A_254 = vector.broadcast %mul3A_253 : f32 to vector<16xf32>
        %mul3A_255 = arith.mulf %get3A_252, %mul3A_254 : vector<16xf32>
        %swap3A_256 = arith.index_cast %scan3A_224 : i32 to index
        %swap3A_257 = arith.constant 32 : index
        %swap3A_258 = tpu.vector_load %arg8[%swap3A_256, %swap3A_257] {strides = array<i32>} : memref<512x64xf32, #tpu.memory_space<vmem>>, vector<1x16xf32>,
        %swap3A_259 = vector.shape_cast %swap3A_258 : vector<1x16xf32> to vector<16xf32>
        %swap3A_260 = vector.shape_cast %mul3A_255 : vector<16xf32> to vector<1x16xf32>
        tpu.vector_store %arg8[%swap3A_256, %swap3A_257], %swap3A_260 {strides = array<i32>} : memref<512x64xf32, #tpu.memory_space<vmem>>, vector<1x16xf32>,
        %get3A_261 = arith.index_cast %scan3A_224 : i32 to index
        %get3A_262 = arith.constant 48 : index
        %get3A_263 = tpu.vector_load %arg8[%get3A_261, %get3A_262] {strides = array<i32>} : memref<512x64xf32, #tpu.memory_space<vmem>>, vector<1x16xf32>,
        %get3A_264 = vector.shape_cast %get3A_263 : vector<1x16xf32> to vector<16xf32>
        %mul3A_265 = arith.constant 8.000000e+00 : f32
        %mul3A_266 = vector.broadcast %mul3A_265 : f32 to vector<16xf32>
        %mul3A_267 = arith.mulf %get3A_264, %mul3A_266 : vector<16xf32>
        %swap3A_268 = arith.index_cast %scan3A_224 : i32 to index
        %swap3A_269 = arith.constant 48 : index
        %swap3A_270 = tpu.vector_load %arg8[%swap3A_268, %swap3A_269] {strides = array<i32>} : memref<512x64xf32, #tpu.memory_space<vmem>>, vector<1x16xf32>,
        %swap3A_271 = vector.shape_cast %swap3A_270 : vector<1x16xf32> to vector<16xf32>
        %swap3A_272 = vector.shape_cast %mul3A_267 : vector<16xf32> to vector<1x16xf32>
        tpu.vector_store %arg8[%swap3A_268, %swap3A_269], %swap3A_272 {strides = array<i32>} : memref<512x64xf32, #tpu.memory_space<vmem>>, vector<1x16xf32>,
      }
      %scan3A_68 = arith.constant 512 : i32
      %mul3A_69 = arith.constant 512 : i32
      %mul3A_70 = arith.muli %add3A_47, %mul3A_69 : i32
      %add3A_71 = arith.addi %mul3A_2, %mul3A_70 : i32
      %dma_start3A_72 = arith.constant 0 : i32
      %dma_start3A_73 = tpu.memref_slice %arg4[%add3A_71, %dma_start3A_72] : memref<819200x64xf32, #tpu.memory_space<hbm>> -> memref<512x64xf32, #tpu.memory_space<hbm>>
      %dma_start3A_74 = arith.constant 0 : i32
      %dma_start3A_75 = tpu.memref_slice %arg4[%add3A_71, %dma_start3A_74] : memref<819200x64xf32, #tpu.memory_space<hbm>> -> memref<512x64xf32, #tpu.memory_space<hbm>>
      tpu.enqueue_dma source(%arg8 : memref<512x64xf32, #tpu.memory_space<vmem>>) target(%dma_start3A_75 : memref<512x64xf32, #tpu.memory_space<hbm>>) target_semaphore(%arg12 : memref<!tpu.dma_semaphore, #tpu.memory_space<semaphore_mem>>)
    }
    %scan3A_11 = arith.constant 25 : i32
    %add3A_12 = arith.constant 25088 : i32
    %add3A_13 = arith.addi %mul3A_2, %add3A_12 : i32
    %dma_wait3A = arith.constant 0 : i32
    %dma_wait3A_14 = tpu.memref_slice %arg4[%add3A_13, %dma_wait3A] : memref<819200x64xf32, #tpu.memory_space<hbm>> -> memref<512x64xf32, #tpu.memory_space<hbm>>
    %dma_wait3A_15 = arith.constant 0 : i32
    %dma_wait3A_16 = tpu.memref_slice %arg4[%add3A_13, %dma_wait3A_15] : memref<819200x64xf32, #tpu.memory_space<hbm>> -> memref<512x64xf32, #tpu.memory_space<hbm>>
    tpu.wait_dma2 semaphore(%arg12 : memref<!tpu.dma_semaphore, #tpu.memory_space<semaphore_mem>>) src(%arg8 : memref<512x64xf32, #tpu.memory_space<vmem>>) dst(%dma_wait3A_16 : memref<512x64xf32, #tpu.memory_space<hbm>>)
    return
  }
}

</mosaic_0001>

<sc_bundles>
// kernel: kernel.3.cloned.1.call-start
scs
__scs_entry_jumppad:
0x0: {  	(pc) =	sbr.rel $0x88, $3  }
0x1: {  	(tag) =	ssettag $0x0;
	lr =	simm.s32 $0x1  }
0x2: {  	[smem:$0x3F9F] =	sst lr;
	_ =	strace $0xD0000000  }
0x3: {  	_ = 	snop  }
0x4: {  	_ = 	snop  }
0x5: {  	_ = 	snop  }
0x6: {  	_ = 	snop  }
0x7: {  	_ = 	snop  }
__scs_overlays_trampoline_lowered:
0x8: {  	[smem:$0x3FAE] =	sst s0  }
0x9: {  	[smem:$0x3FAF] =	sst s1  }
0xa: {  	[smem:$0x3FB0] =	sst s2  }
0xb: {  	[smem:$0x3FB1] =	sst s3  }
0xc: {  	[smem:$0x3FB2] =	sst s4  }
0xd: {  	[smem:$0x3FB3] =	sst s5  }
0xe: {  	[smem:$0x3FB4] =	sst s6  }
0xf: {  	[smem:$0x3FB5] =	sst s7  }
0x10: {  	[smem:$0x3FB6] =	sst s8  }
0x11: {  	[smem:$0x3FB7] =	sst s9;
	s0 =	simm.s32 @!p0 $0x0  }
0x12: {  	s1 =	sld [smem:$0x3F9D];
	s0 =	simm.s32 @p0 $0x1  }
0x13: {  	[smem:$0x3FB8] =	sst s0;
	s0 =	simm.s32 @!p1 $0x0  }
0x14: {  	s2 =	sld [smem:$0x3F9C];
	s0 =	simm.s32 @p1 $0x1  }
0x15: {  	[smem:$0x3FB9] =	sst s0;
	s0 =	simm.s32 @!p2 $0x0  }
0x16: {  	s3 =	sld [smem:$0x3FDB];
	s0 =	simm.s32 @p2 $0x1  }
0x17: {  	s4 =	simm.s32 $0x1BF5;
	[smem:$0x3FBB] =	sst s0  }
0x18: {  	s0 =	sld [smem:$0x3F9E];
	_ =	swait.ge [sflag:s4], $0x0  }
0x19: {  	s7 =	sld [smem:$0x3F9F]  }
0x1a: {  	s8 =	sadd.s32 $0xFFFFE003, lr  }
0x1b: {  	s9 =	sadd.s32 $0xFFFFFEF7, lr;
	s5 =	simm.s32 $0xFFFFFFFF;
	p2 =	slt.u32 s8, $0xFFFFF086  }
0x1c: {  	p1 =	slt.u32 s9, $0xF7A;
	s5 =	simm.s32 @!p2 $0x0  }
0x1d: {  	s5 =	simm.s32 @p1 $0x1;
	p0 =	seq.s32 s7, s2  }
0x1e: {  	s7 =	smul.u32 @!p0 $0xF7A, s2;
	p2 =	seq.s32 @!p0 s5, $0x0  }
0x1f: {  	s9 =	smul.u32 $0xF7A, s1;
	s8 =	simm.s32 @!p0 $0x1BF5;
	p2 =	por !p2, p0  }
0x20: {  	[sflag:s8] =	ssyncset.s32 @!p0 $0xFFFFF086;
	s6 =	sadd.s32 @!p0 s3, s7;
	s7 =	simm.s32 @!p0 $0x108  }
0x21: {  	s3 =	sadd.s32 s3, s9;
	s6 =	sadd.s32 @!p0 $0x88, s6;
	s7 =	simm.s32 @p2 $0x1082  }
0x22: {  	[simem:s7], [sflag:s8] =	dma.local @!p0 [hbm:s6], $0xF7A  }
0x23: {  	s9 =	sor.u32 $0xD0000000, s2;
	s6 =	simm.s32 $0x108;
	_ =	swait.ge @!p0 [sflag:s8], $0x0  }
0x24: {  	s3 =	sadd.s32 $0x88, s3;
	s6 =	simm.s32 @!p1 $0x1082;
	[sflag:s4] =	ssyncset.s32 $0xFFFFF086  }
0x25: {  	[simem:s6], [sflag:s4] =	dma.local [hbm:s3], $0xF7A  }
0x26: {  	[smem:$0x3F9F] =	sst s1;
	(tag) =	ssettag s2;
	_ =	strace s9  }
0x27: {  	s1 =	sld [smem:$0x3FAF]  }
0x28: {  	s2 =	sld [smem:$0x3FB0]  }
0x29: {  	s4 =	sld [smem:$0x3FB2]  }
0x2a: {  	p0 =	seq.s32 s5, $0x0;
	s5 =	sld [smem:$0x3FB3]  }
0x2b: {  	s6 =	sld [smem:$0x3FB4]  }
0x2c: {  	s7 =	sld [smem:$0x3FB5]  }
0x2d: {  	s3 =	simm.s32 $0x108;
	s8 =	sld [smem:$0x3FB6]  }
0x2e: {  	s3 =	simm.s32 @!p0 $0x1082;
	s9 =	sld [smem:$0x3FB7]  }
0x2f: {  	lr =	sadd.s32 s0, s3;
	s0 =	sld [smem:$0x3FAE]  }
0x30: {  	s3 =	sld [smem:$0x3FB1]  }
0x31: {  	[smem:$0x3FBA] =	sst s10  }
0x32: {  	s10 =	sld [smem:$0x3FB8];
	_ =	sdelay $0x3  }
0x33: {  	p0 =	seq.s32 s10, $0x1;
	s10 =	sld [smem:$0x3FBA];
	_ =	sdelay $0x3  }
0x34: {  	[smem:$0x3FBA] =	sst s10  }
0x35: {  	s10 =	sld [smem:$0x3FB9];
	_ =	sdelay $0x3  }
0x36: {  	p1 =	seq.s32 s10, $0x1;
	s10 =	sld [smem:$0x3FBA];
	_ =	sdelay $0x3  }
0x37: {  	[smem:$0x3FBA] =	sst s10  }
0x38: {  	s10 =	sld [smem:$0x3FBB]  }
0x39: {  	_ = 	snop;
	(pc) =	sbr.ind lr, $3  }
0x3a: {  	_ = 	snop  }
0x3b: {  	_ = 	snop  }
0x3c: {  	p2 =	seq.s32 s10, $0x1;
	s10 =	sld [smem:$0x3FBA]  }
0x3d: {  	_ =	shalt  }
0x3e: {  	_ =	shalt  }
0x3f: {  	_ =	shalt  }
0x40: {  	_ =	shalt  }
0x41: {  	_ =	shalt  }
0x42: {  	_ =	shalt  }
0x43: {  	_ =	shalt  }
0x44: {  	_ =	shalt  }
0x45: {  	_ =	shalt  }
0x46: {  	_ =	shalt  }
0x47: {  	_ =	shalt  }
0x48: {  	_ =	shalt  }
0x49: {  	_ =	shalt  }
0x4a: {  	_ =	shalt  }
0x4b: {  	_ =	shalt  }
0x4c: {  	_ =	shalt  }
0x4d: {  	_ =	shalt  }
0x4e: {  	_ =	shalt  }
0x4f: {  	_ =	shalt  }
0x50: {  	_ =	shalt  }
0x51: {  	_ =	shalt  }
0x52: {  	_ =	shalt  }
0x53: {  	_ =	shalt  }
0x54: {  	_ =	shalt  }
0x55: {  	_ =	shalt  }
0x56: {  	_ =	shalt  }
0x57: {  	_ =	shalt  }
0x58: {  	_ =	shalt  }
0x59: {  	_ =	shalt  }
0x5a: {  	_ =	shalt  }
0x5b: {  	_ =	shalt  }
0x5c: {  	_ =	shalt  }
0x5d: {  	_ =	shalt  }
0x5e: {  	_ =	shalt  }
0x5f: {  	_ =	shalt  }
0x60: {  	_ =	shalt  }
0x61: {  	_ =	shalt  }
0x62: {  	_ =	shalt  }
0x63: {  	_ =	shalt  }
0x64: {  	_ =	shalt  }
0x65: {  	_ =	shalt  }
0x66: {  	_ =	shalt  }
0x67: {  	_ =	shalt  }
0x68: {  	_ =	shalt  }
0x69: {  	_ =	shalt  }
0x6a: {  	_ =	shalt  }
0x6b: {  	_ =	shalt  }
0x6c: {  	_ =	shalt  }
0x6d: {  	_ =	shalt  }
0x6e: {  	_ =	shalt  }
0x6f: {  	_ =	shalt  }
0x70: {  	_ =	shalt  }
0x71: {  	_ =	shalt  }
0x72: {  	_ =	shalt  }
0x73: {  	_ =	shalt  }
0x74: {  	_ =	shalt  }
0x75: {  	_ =	shalt  }
0x76: {  	_ =	shalt  }
0x77: {  	_ =	shalt  }
0x78: {  	_ =	shalt  }
0x79: {  	_ =	shalt  }
0x7a: {  	_ =	shalt  }
0x7b: {  	_ =	shalt  }
0x7c: {  	_ =	shalt  }
0x7d: {  	_ =	shalt  }
0x7e: {  	_ =	shalt  }
0x7f: {  	_ =	shalt  }
0x80: {  	_ =	shalt  }
0x81: {  	_ =	shalt  }
0x82: {  	_ =	shalt  }
0x83: {  	_ =	shalt  }
0x84: {  	_ =	shalt  }
0x85: {  	_ =	shalt  }
0x86: {  	_ =	shalt  }
0x87: {  	_ =	shalt  }
.Lfunc_end0:
.L_simem_size_0:
called_computation.1_lowered:
.L_overlay_start_0:
0x88: {  	s2 =	sld [smem:$0x3FD9]  }
0x89: {  	s3 =	sld [smem:$0x3FFE];
	_ =	sdelay $0x1  }
0x8a: {  	s1 =	srdreg.scid  }
0x8b: {  	s0 =	sand.u32 $0x1, s1  }
0x8c: {  	s17 =	sshll.u32 s0, $0xA;
	s2 =	sadd.s32 s3, s2  }
0x8d: {  	s2 =	sadd.s32 s2, s17  }
0x8e: {  	[smem:$0x3FC6] =	sst s2  }
0x8f: {  	_ = 	snop  }
0x90: {  	s2 =	sld [smem:$0x3FD0];
	(tm) =	ssettm $0x1  }
0x91: {  	s18 =	sld [smem:$0x3FFB];
	_ =	sdelay $0x3  }
0x92: {  	_ =	strace s18  }
0x93: {  	s3 =	sld [smem:$0x3FFC];
	_ =	sdelay $0x3  }
0x94: {  	_ =	strace s3  }
0x95: {  	s3 =	sld [smem:$0x3FFD];
	_ =	sdelay $0x3  }
0x96: {  	_ =	strace s3  }
0x97: {  	_ =	strace $0x8FFFFFFF  }
0x98: {  	s19 =	sld [smem:$0x3FDB];
	_ =	sdelay $0x1  }
0x99: {  	s4 =	simm.s32 $_scs_section_size  }
0x9a: {  	s5 =	simm.s32 $_size__tile_overlayer_lowered;
	s6 =	simm.s32 $_tile_overlayer_lowered  }
0x9b: {  	s22 =	simm.s32 $0x1BFF;
	s21 =	sshll.u32 s6, $0x1;
	s3 =	sadd.s32 s4, s19  }
0x9c: {  	s7 =	simm.s32 $0x0;
	s20 =	sshll.u32 s5, $0x1;
	s5 =	sadd.s32 s21, s3  }
0x9d: {  	[timem:s7], [sflag:s22] =	dma.local [hbm:s5], s20  }
0x9e: {  	_ =	swait.ge [sflag:s22], s20  }
0x9f: {  	s4 =	ssub.s32 $0x0, s20;
	[sflag:s22] =	ssyncset.done $0x0  }
0xa0: {  	[sflag:s22] =	ssyncadd.s32 s4;
	_ =	sdelay $0x1  }
0xa1: {  	s23 =	simm.s32 $0x1B8B  }
0xa2: {  	_ =	swait.ge [sflag:s23], $0x1  }
0xa3: {  	[sflag:s23] =	ssyncset.done $0x0  }
0xa4: {  	s25 =	simm.s32 $0x1B8E;
	s24 =	sld [smem:$0x3FFE];
	[sflag:s23] =	ssyncadd.s32 $0xFFFFFFFF  }
0xa5: {  	s26 =	simm.s32 $execute0_lowered;
	[smem:$0x3FD2] =	sst s25  }
0xa6: {  	s5 =	sshll.u32 s26, $0x1;
	_ =	strace $0x80000046;
	[dreg:$0x1] =	wrdreg $0xFFFFFFFF  }
0xa7: {  	s28 =	simm.s32 $_size_execute0_lowered;
	s3 =	sadd.s32 s3, s5;
	[dreg:$0x0] =	wrdreg $0x0  }
0xa8: {  	s5 =	sshll.u32 s28, $0x1;
	[dreg:$0x2] =	wrdreg s3  }
0xa9: {  	[dreg:$0x3] =	wrdreg s5  }
0xaa: {  	[dreg:$0x4] =	wrdreg $0xC0  }
0xab: {  	_ =	task [dreg:s7], $0x5FFFF  }
0xac: {  	[dreg:$0x1] =	wrdreg $0xFFFFFFFF  }
0xad: {  	[dreg:$0x0] =	wrdreg $0x60  }
0xae: {  	[dreg:$0x2] =	wrdreg s24  }
0xaf: {  	[dreg:$0x3] =	wrdreg s2  }
0xb0: {  	[dreg:$0x4] =	wrdreg $0x9  }
0xb1: {  	_ =	task.clear_ibuf [dreg:s7], $0x5FFFF;
	_ =	strace $0x90000046  }
0xb2: {  	s29 =	simm.s32 $0x9;
	_ =	strace $0x80000048  }
0xb3: {  	_ =	swait.ge [sflag:s29], $0x1  }
0xb4: {  	[sflag:s29] =	ssyncadd.s32 $0xFFFFFFFF  }
0xb5: {  	_ =	strace $0x90000048  }
0xb6: {  	_ =	sfence  }
0xb7: {  	s30 =	sld [smem:$0x0];
	_ =	sdelay $0x2  }
0xb8: {  	s31 =	sshll.u32 s1, $0xD;
	s1 =	sshrl.u32 s1, $0x2  }
0xb9: {  	s3 =	sand.u32 $0x4000, s31;
	s1 =	sadd.s32 s1, s30  }
0xba: {  	s0 =	sor.u32 s3, s0;
	s1 =	sshll.u32 s1, $0x11  }
0xbb: {  	s0 =	sor.u32 s1, s0  }
0xbc: {  	s0 =	sadd.s32 $0x8F2B, s0  }
0xbd: {  	[sflag:s0] =	ssyncadd.remote.s32 $0x1  }
0xbe: {  	_ =	sfence.sel $0xFFFF  }
0xbf: {  	[dreg:$0x0] =	wrdreg $0xFFFFFFFF;
	(pc) =	sbr.abs _section_cstart, $3  }
0xc0: {  	[dreg:$0x1] =	wrdreg $0xFFFFFFFF  }
0xc1: {  	_ =	task.clear_ibuf [dreg:s7], $0x2FFFF;
	_ =	strace $0x9FFFFFFF  }
0xc2: {  	(tm) =	ssettm $0x7FFFFFFF  }
0xc3: {  	_ =	shalt  }
tec
execute0_lowered:
.L_overlay_start_1:
0x0: {  	(tag) =	ssettag $0x1  }
0x1: {  	s6 =	rddreg [dreg:$0x0];
	s1 =	srdreg.scid  }
0x2: {  	s0 =	stileid.u32;
	s2 =	rddreg [dreg:$0x1]  }
0x3: {  	s3 =	simm.s32 $0x0;
	s12 =	simm.s32 $0x200;
	s13 =	simm.s32 $0x400  }
0x4: {  	s14 =	simm.s32 $0x8400;
	s15 =	simm.s32 $0x1;
	s16 =	simm.s32 $0x3  }
0x5: {  	s17 =	simm.s32 $0x2;
	s18 =	simm.s32 $0x4;
	s19 =	simm.s32 $0x0  }
0x6: {  	s5 =	sand.u32 $0x1, s1;
	s4 =	sshll.u32 s0, $0x1;
	[smem:$0x7FF] =	sst s3  }
0x7: {  	s1 =	rddreg [dreg:$0x2];
	s8 =	sor.u32 s5, s4;
	_ =	strace $0x80000047  }
0x8: {  	s7 =	ssub.s32 $0x2, s5;
	s5 =	sadd.s32 $0xA00, s6;
	s4 =	smul.u32 $0x6400, s8  }
0x9: {  	s6 =	sadd.s32 $0xF42E00, s6;
	s9 =	sshrl.u32 s7, $0x1;
	s8 =	smul.u32 $0x190000, s8  }
0xa: {  	s11 =	ssub.s32 s7, s9;
	s10 =	sshrl.u32 s4, $0x3;
	s9 =	sadd.s32 $0x400, s4  }
0xb: {  	s7 =	sadd.s32 s5, s10;
	s10 =	smax.u32 s11, $0x1;
	s11 =	simm.s32 $0x5  }
.LBB2_1:
0xc: {  	[tilespmem:s3], [sflag:$0x5] =	stream.linear.gather [hbm4b:s7+s3], $0x200, $0x38;
	[tilespmem:$0x10400] =	vst v63  }
0xd: {  	_ =	swait.ge [sflag:s11], $0x200  }
0xe: {  	[sflag:s11] =	ssyncset.done $0x0  }
0xf: {  	s20 =	simm.s32 $0x0;
	[sflag:s11] =	ssyncadd.s32 $0xFFFFFE00  }
0x10: {  	[tilespmem:s13], [sflag:$0x1] =	stream.indirect.gather [hbm4b:s6+s12], $0x40, s3, s12, $0xb8;
	[tilespmem:$0x10400] =	vst v63  }
.LBB2_2:
0x11: {  	s21 =	sshll.u32 s20, $0x1  }
0x12: {  	p0 =	seq.s32 s20, $0x0;
	s21 =	sor.u32 $0x1, s21  }
0x13: {  	s22 =	simm.s32 @!p0 $0x4;
	s23 =	sshll.u32 s21, $0x9  }
0x14: {  	_ =	swait.ge @!p0 [sflag:s22], $0x8000;
	s23 =	sadd.s32 s4, s23  }
0x15: {  	[sflag:s22] =	ssyncset.done @!p0 $0x0;
	s23 =	sshrl.u32 s23, $0x3  }
0x16: {  	[sflag:s22] =	ssyncadd.s32 @!p0 $0xFFFF8000;
	s31 =	sadd.s32 s5, s23  }
0x17: {  	[tilespmem:s12], [sflag:$0x5] =	stream.linear.gather [hbm4b:s31+s3], $0x200, $0x38;
	[tilespmem:$0x10400] =	vst v63  }
0x18: {  	_ =	swait.ge [sflag:s11], $0x200  }
0x19: {  	[sflag:s11] =	ssyncset.done $0x0  }
0x1a: {  	[sflag:s11] =	ssyncadd.s32 $0xFFFFFE00  }
0x1b: {  	[tilespmem:s14], [sflag:$0x2] =	stream.indirect.gather [hbm4b:s6+s12], $0x40, s12, s12, $0xb8;
	[tilespmem:$0x10400] =	vst v63  }
0x1c: {  	_ =	swait.ge [sflag:s15], $0x8000  }
0x1d: {  	[sflag:s15] =	ssyncset.done $0x0  }
0x1e: {  	s22 =	simm.s32 $0x480;
	[sflag:s15] =	ssyncadd.s32 $0xFFFF8000  }
0x1f: {  	v0 =	vld [tilespmem:s22+$0xFFFFFF80]  }
0x20: {  	v1 =	vld [tilespmem:s22+$0xFFFFFF90]  }
0x21: {  	v2 =	vld [tilespmem:s22+$0xFFFFFFA0]  }
0x22: {  	v3 =	vld [tilespmem:s22+$0xFFFFFFB0]  }
0x23: {  	v4 =	vld [tilespmem:s22+$0xFFFFFFC0]  }
0x24: {  	v5 =	vld [tilespmem:s22+$0xFFFFFFD0];
	v0 =	vmul.f32 $8.000000000e+00, v0  }
0x25: {  	v6 =	vld [tilespmem:s22+$0xFFFFFFE0];
	v1 =	vmul.f32 $8.000000000e+00, v1  }
0x26: {  	[tilespmem:s22+$0xFFFFFF80] =	vst v0;
	v0 =	vmul.f32 $8.000000000e+00, v2;
	v2 =	vld [tilespmem:s22+$0x0]  }
0x27: {  	[tilespmem:s22+$0xFFFFFF90] =	vst v1;
	v1 =	vmul.f32 $8.000000000e+00, v3;
	v3 =	vld [tilespmem:s22+$0x10]  }
0x28: {  	[tilespmem:s22+$0xFFFFFFA0] =	vst v0;
	v0 =	vmul.f32 $8.000000000e+00, v4;
	v4 =	vld [tilespmem:s22+$0x20]  }
0x29: {  	v7 =	vld [tilespmem:s22+$0x30];
	[tilespmem:s22+$0xFFFFFFB0] =	vst v1;
	v1 =	vmul.f32 $8.000000000e+00, v5  }
0x2a: {  	v5 =	vmul.f32 $8.000000000e+00, v6;
	[tilespmem:s22+$0xFFFFFFC0] =	vst v0;
	v0 =	vld [tilespmem:s22+$0x40]  }
0x2b: {  	[tilespmem:s22+$0xFFFFFFD0] =	vst v1;
	v1 =	vmul.f32 $8.000000000e+00, v2;
	v2 =	vld [tilespmem:s22+$0x50]  }
0x2c: {  	[tilespmem:s22+$0xFFFFFFE0] =	vst v5;
	v6 =	vmul.f32 $8.000000000e+00, v3;
	v3 =	vld [tilespmem:s22+$0x60]  }
0x2d: {  	[tilespmem:s22+$0x0] =	vst v1;
	v5 =	vmul.f32 $8.000000000e+00, v4;
	v4 =	vld [tilespmem:s22+$0x70]  }
0x2e: {  	s24 =	simm.s32 $0x580;
	s23 =	simm.s32 $0x0;
	v1 =	vld [tilespmem:s22+$0xFFFFFFF0];
	[tilespmem:s22+$0x10] =	vst v6;
	v6 =	vmul.f32 $8.000000000e+00, v7  }
.LBB2_3:
0x2f: {  	v7 =	vld [tilespmem:s24+$0xFFFFFF80];
	[tilespmem:s22+$0x20] =	vst v5;
	v0 =	vmul.f32 $8.000000000e+00, v0  }
0x30: {  	v5 =	vld [tilespmem:s24+$0xFFFFFF90];
	[tilespmem:s22+$0x30] =	vst v6;
	v2 =	vmul.f32 $8.000000000e+00, v2  }
0x31: {  	v6 =	vld [tilespmem:s24+$0xFFFFFFA0];
	[tilespmem:s22+$0x40] =	vst v0;
	v0 =	vmul.f32 $8.000000000e+00, v3  }
0x32: {  	v3 =	vld [tilespmem:s24+$0xFFFFFFB0];
	[tilespmem:s22+$0x50] =	vst v2;
	v2 =	vmul.f32 $8.000000000e+00, v4  }
0x33: {  	v4 =	vld [tilespmem:s24+$0xFFFFFFC0];
	v1 =	vmul.f32 $8.000000000e+00, v1;
	[tilespmem:s22+$0x60] =	vst v0  }
0x34: {  	v0 =	vmul.f32 $8.000000000e+00, v7;
	v7 =	vld [tilespmem:s24+$0xFFFFFFD0];
	[tilespmem:s22+$0x70] =	vst v2  }
0x35: {  	v2 =	vmul.f32 $8.000000000e+00, v5;
	v5 =	vld [tilespmem:s24+$0xFFFFFFE0];
	[tilespmem:s22+$0xFFFFFFF0] =	vst v1;
	s22 =	smov.u32 s24  }
0x36: {  	[tilespmem:s24+$0xFFFFFF80] =	vst v0;
	v0 =	vmul.f32 $8.000000000e+00, v6;
	v1 =	vld [tilespmem:s24+$0x0]  }
0x37: {  	[tilespmem:s24+$0xFFFFFF90] =	vst v2;
	v2 =	vmul.f32 $8.000000000e+00, v3;
	v3 =	vld [tilespmem:s24+$0x10]  }
0x38: {  	s23 =	sadd.s32 $0x4, s23;
	[tilespmem:s24+$0xFFFFFFA0] =	vst v0;
	v0 =	vmul.f32 $8.000000000e+00, v4;
	v4 =	vld [tilespmem:s24+$0x20]  }
0x39: {  	p0 =	slt.u32 s23, $0x1FC;
	[tilespmem:s24+$0xFFFFFFB0] =	vst v2;
	v2 =	vmul.f32 $8.000000000e+00, v7;
	v6 =	vld [tilespmem:s24+$0x30]  }
.Ltmp0:
0x3a: {  	[tilespmem:s24+$0xFFFFFFC0] =	vst v0;
	v5 =	vmul.f32 $8.000000000e+00, v5;
	v0 =	vld [tilespmem:s24+$0x40];
	(pc) =	sbr.rel @p0 .LBB2_3-.Ltmp0, $4  }
0x3b: {  	[tilespmem:s24+$0xFFFFFFD0] =	vst v2;
	v1 =	vmul.f32 $8.000000000e+00, v1;
	v2 =	vld [tilespmem:s24+$0x50]  }
0x3c: {  	[tilespmem:s24+$0xFFFFFFE0] =	vst v5;
	v7 =	vmul.f32 $8.000000000e+00, v3;
	v3 =	vld [tilespmem:s24+$0x60]  }
0x3d: {  	[tilespmem:s24+$0x0] =	vst v1;
	v5 =	vmul.f32 $8.000000000e+00, v4;
	v4 =	vld [tilespmem:s24+$0x70]  }
0x3e: {  	s24 =	sadd.s32 $0x100, s24;
	v1 =	vld [tilespmem:s22+$0xFFFFFFF0];
	[tilespmem:s22+$0x10] =	vst v7;
	v6 =	vmul.f32 $8.000000000e+00, v6  }
0x3f: {  	[tilespmem:s22+$0x20] =	vst v5;
	v0 =	vmul.f32 $8.000000000e+00, v0  }
0x40: {  	[tilespmem:s22+$0x30] =	vst v6;
	v2 =	vmul.f32 $8.000000000e+00, v2  }
0x41: {  	[tilespmem:s22+$0x40] =	vst v0;
	v0 =	vmul.f32 $8.000000000e+00, v3  }
0x42: {  	s23 =	sshll.u32 s20, $0x10;
	[tilespmem:s22+$0x50] =	vst v2;
	v2 =	vmul.f32 $8.000000000e+00, v4  }
0x43: {  	s23 =	sadd.s32 s8, s23;
	v1 =	vmul.f32 $8.000000000e+00, v1;
	[tilespmem:s22+$0x60] =	vst v0  }
0x44: {  	p0 =	seq.s32 s20, $0x18;
	s23 =	sshrl.u32 s23, $0x3;
	[tilespmem:s22+$0x70] =	vst v2  }
0x45: {  	s31 =	sadd.s32 s2, s23;
	[tilespmem:s22+$0xFFFFFFF0] =	vst v1;
	s22 =	sshll.u32 @!p0 s20, $0xA  }
0x46: {  	[hbm4b:s31+s3] =	stream.linear.scatter [tilespmem:s13], [sflag:$0x3], $0x8000, $0x38;
	[tilespmem:$0x10400] =	vst v63  }
0x47: {  	s22 =	sadd.s32 @!p0 s22, s9;
	_ =	swait.ge [sflag:s16], $0x8000  }
0x48: {  	s22 =	sshrl.u32 @!p0 s22, $0x3;
	[sflag:s16] =	ssyncset.done $0x0  }
0x49: {  	s23 =	simm.s32 @!p0 $0x0;
	s22 =	sadd.s32 @!p0 s5, s22;
	[sflag:s16] =	ssyncadd.s32 $0xFFFF8000  }
0x4a: {  	[tilespmem:s23], [sflag:$0x5] =	stream.linear.gather @!p0 [hbm4b:s22+s23], $0x200, $0x38;
	[tilespmem:$0x10400] =	vst v63  }
0x4b: {  	s22 =	simm.s32 @!p0 $0x5  }
0x4c: {  	_ =	swait.ge @!p0 [sflag:s22], $0x200  }
0x4d: {  	[sflag:s22] =	ssyncset.done @!p0 $0x0  }
0x4e: {  	s24 =	simm.s32 @!p0 $0x400;
	[sflag:s22] =	ssyncadd.s32 @!p0 $0xFFFFFE00;
	s22 =	simm.s32 @!p0 $0x200  }
0x4f: {  	[tilespmem:s24], [sflag:$0x1] =	stream.indirect.gather @!p0 [hbm4b:s6+s22], $0x40, s23, s22, $0xb8;
	[tilespmem:$0x10400] =	vst v63  }
0x50: {  	_ =	swait.ge [sflag:s17], $0x8000  }
0x51: {  	[sflag:s17] =	ssyncset.done $0x0  }
0x52: {  	s22 =	simm.s32 $0x8480;
	[sflag:s17] =	ssyncadd.s32 $0xFFFF8000  }
0x53: {  	v0 =	vld [tilespmem:s22+$0xFFFFFF80]  }
0x54: {  	v1 =	vld [tilespmem:s22+$0xFFFFFF90]  }
0x55: {  	v2 =	vld [tilespmem:s22+$0xFFFFFFA0]  }
0x56: {  	v3 =	vld [tilespmem:s22+$0xFFFFFFB0]  }
0x57: {  	v4 =	vld [tilespmem:s22+$0xFFFFFFC0]  }
0x58: {  	v5 =	vld [tilespmem:s22+$0xFFFFFFD0];
	v0 =	vmul.f32 $8.000000000e+00, v0  }
0x59: {  	v6 =	vld [tilespmem:s22+$0xFFFFFFE0];
	v1 =	vmul.f32 $8.000000000e+00, v1  }
0x5a: {  	[tilespmem:s22+$0xFFFFFF80] =	vst v0;
	v0 =	vmul.f32 $8.000000000e+00, v2;
	v2 =	vld [tilespmem:s22+$0x0]  }
0x5b: {  	[tilespmem:s22+$0xFFFFFF90] =	vst v1;
	v1 =	vmul.f32 $8.000000000e+00, v3;
	v3 =	vld [tilespmem:s22+$0x10]  }
0x5c: {  	[tilespmem:s22+$0xFFFFFFA0] =	vst v0;
	v0 =	vmul.f32 $8.000000000e+00, v4;
	v4 =	vld [tilespmem:s22+$0x20]  }
0x5d: {  	v7 =	vld [tilespmem:s22+$0x30];
	[tilespmem:s22+$0xFFFFFFB0] =	vst v1;
	v1 =	vmul.f32 $8.000000000e+00, v5  }
0x5e: {  	v5 =	vmul.f32 $8.000000000e+00, v6;
	[tilespmem:s22+$0xFFFFFFC0] =	vst v0;
	v0 =	vld [tilespmem:s22+$0x40]  }
0x5f: {  	[tilespmem:s22+$0xFFFFFFD0] =	vst v1;
	v1 =	vmul.f32 $8.000000000e+00, v2;
	v2 =	vld [tilespmem:s22+$0x50]  }
0x60: {  	[tilespmem:s22+$0xFFFFFFE0] =	vst v5;
	v6 =	vmul.f32 $8.000000000e+00, v3;
	v3 =	vld [tilespmem:s22+$0x60]  }
0x61: {  	[tilespmem:s22+$0x0] =	vst v1;
	v5 =	vmul.f32 $8.000000000e+00, v4;
	v4 =	vld [tilespmem:s22+$0x70]  }
0x62: {  	s23 =	simm.s32 $0x0;
	s24 =	simm.s32 $0x8580;
	v1 =	vld [tilespmem:s22+$0xFFFFFFF0];
	[tilespmem:s22+$0x10] =	vst v6;
	v6 =	vmul.f32 $8.000000000e+00, v7  }
.LBB2_5:
0x63: {  	v7 =	vld [tilespmem:s24+$0xFFFFFF80];
	[tilespmem:s22+$0x20] =	vst v5;
	v0 =	vmul.f32 $8.000000000e+00, v0  }
0x64: {  	v5 =	vld [tilespmem:s24+$0xFFFFFF90];
	[tilespmem:s22+$0x30] =	vst v6;
	v2 =	vmul.f32 $8.000000000e+00, v2  }
0x65: {  	v6 =	vld [tilespmem:s24+$0xFFFFFFA0];
	[tilespmem:s22+$0x40] =	vst v0;
	v0 =	vmul.f32 $8.000000000e+00, v3  }
0x66: {  	v3 =	vld [tilespmem:s24+$0xFFFFFFB0];
	[tilespmem:s22+$0x50] =	vst v2;
	v2 =	vmul.f32 $8.000000000e+00, v4  }
0x67: {  	v4 =	vld [tilespmem:s24+$0xFFFFFFC0];
	v1 =	vmul.f32 $8.000000000e+00, v1;
	[tilespmem:s22+$0x60] =	vst v0  }
0x68: {  	v0 =	vmul.f32 $8.000000000e+00, v7;
	v7 =	vld [tilespmem:s24+$0xFFFFFFD0];
	[tilespmem:s22+$0x70] =	vst v2  }
0x69: {  	v2 =	vmul.f32 $8.000000000e+00, v5;
	v5 =	vld [tilespmem:s24+$0xFFFFFFE0];
	[tilespmem:s22+$0xFFFFFFF0] =	vst v1;
	s22 =	smov.u32 s24  }
0x6a: {  	[tilespmem:s24+$0xFFFFFF80] =	vst v0;
	v0 =	vmul.f32 $8.000000000e+00, v6;
	v1 =	vld [tilespmem:s24+$0x0]  }
0x6b: {  	[tilespmem:s24+$0xFFFFFF90] =	vst v2;
	v2 =	vmul.f32 $8.000000000e+00, v3;
	v3 =	vld [tilespmem:s24+$0x10]  }
0x6c: {  	s23 =	sadd.s32 $0x4, s23;
	[tilespmem:s24+$0xFFFFFFA0] =	vst v0;
	v0 =	vmul.f32 $8.000000000e+00, v4;
	v4 =	vld [tilespmem:s24+$0x20]  }
0x6d: {  	p0 =	slt.u32 s23, $0x1FC;
	[tilespmem:s24+$0xFFFFFFB0] =	vst v2;
	v2 =	vmul.f32 $8.000000000e+00, v7;
	v6 =	vld [tilespmem:s24+$0x30]  }
.Ltmp1:
0x6e: {  	[tilespmem:s24+$0xFFFFFFC0] =	vst v0;
	v5 =	vmul.f32 $8.000000000e+00, v5;
	v0 =	vld [tilespmem:s24+$0x40];
	(pc) =	sbr.rel @p0 .LBB2_5-.Ltmp1, $4  }
0x6f: {  	[tilespmem:s24+$0xFFFFFFD0] =	vst v2;
	v1 =	vmul.f32 $8.000000000e+00, v1;
	v2 =	vld [tilespmem:s24+$0x50]  }
0x70: {  	[tilespmem:s24+$0xFFFFFFE0] =	vst v5;
	v7 =	vmul.f32 $8.000000000e+00, v3;
	v3 =	vld [tilespmem:s24+$0x60]  }
0x71: {  	[tilespmem:s24+$0x0] =	vst v1;
	v5 =	vmul.f32 $8.000000000e+00, v4;
	v4 =	vld [tilespmem:s24+$0x70]  }
0x72: {  	s24 =	sadd.s32 $0x100, s24;
	v1 =	vld [tilespmem:s22+$0xFFFFFFF0];
	[tilespmem:s22+$0x10] =	vst v7;
	v6 =	vmul.f32 $8.000000000e+00, v6  }
0x73: {  	[tilespmem:s22+$0x20] =	vst v5;
	v0 =	vmul.f32 $8.000000000e+00, v0  }
0x74: {  	s20 =	sadd.s32 $0x1, s20;
	[tilespmem:s22+$0x30] =	vst v6;
	v2 =	vmul.f32 $8.000000000e+00, v2  }
0x75: {  	p0 =	sne.s32 s20, $0x19;
	[tilespmem:s22+$0x40] =	vst v0;
	v62 =	vmul.f32 $8.000000000e+00, v3  }
.Ltmp2:
0x76: {  	s21 =	sshll.u32 s21, $0xF;
	[tilespmem:s22+$0x50] =	vst v2;
	v63 =	vmul.f32 $8.000000000e+00, v4;
	(pc) =	sbr.rel @p0 .LBB2_2-.Ltmp2, $4  }
0x77: {  	s21 =	sadd.s32 s8, s21;
	v1 =	vmul.f32 $8.000000000e+00, v1;
	[tilespmem:s22+$0x60] =	vst v62  }
0x78: {  	s21 =	sshrl.u32 s21, $0x3;
	[tilespmem:s22+$0x70] =	vst v63  }
0x79: {  	s21 =	sadd.s32 s2, s21;
	[tilespmem:s22+$0xFFFFFFF0] =	vst v1  }
0x7a: {  	[hbm4b:s21+s3] =	stream.linear.scatter [tilespmem:s14], [sflag:$0x4], $0x8000, $0x38;
	[tilespmem:$0x10400] =	vst v63  }
0x7b: {  	s19 =	sadd.s32 $0x1, s19  }
0x7c: {  	p0 =	sne.s32 s19, s10  }
.Ltmp3:
0x7d: {  	_ = 	snop;
	(pc) =	sbr.rel @p0 .LBB2_1-.Ltmp3, $4  }
0x7e: {  	_ = 	snop  }
0x7f: {  	_ =	swait.ge [sflag:s18], $0x8000  }
0x80: {  	[sflag:s18] =	ssyncset.done $0x0  }
0x81: {  	[sflag:s18] =	ssyncadd.s32 $0xFFFF8000  }
0x82: {  	_ =	sfence.sel $0x180000  }
0x83: {  	[bflag:$0x0] =	sbarrier.arrive $0xFFFF  }
0x84: {  	p0 =	sne.s32 s0, $0x0;
	_ =	strace $0x90000047  }
0x85: {  	s0 =	sadd.s32 @!p0 $0x100000, s1;
	[bflag:$0x2] =	sbarrier.arrive $0xFFFF  }
0x86: {  	[sflag:s0] =	ssyncadd.tile.s32 @!p0 $0x1;
	_ =	shalt  }
.Lfunc_end2:
_tile_overlayer_lowered:
.L_overlay_start_2:
0x87: {  	(tag) =	ssettag $0x2  }
0x88: {  	s0 =	rddreg [dreg:$0x0];
	s2 =	stileid.u32  }
0x89: {  	s1 =	rddreg [dreg:$0x1];
	p0 =	sne.s32 s2, $0x0  }
0x8a: {  	s3 =	rddreg [dreg:$0x2];
	[bflag:$0x3] =	sbarrier.arrive $0xFFFF;
	s2 =	simm.s32 @!p0 $0x1C05  }
0x8b: {  	[timem:s3], [sflag:s2] =	dma.local @!p0 [hbm:s0], s1  }
0x8c: {  	s0 =	simm.s32 @!p0 $0x5  }
0x8d: {  	_ =	swait.ge @!p0 [sflag:s0], s1  }
0x8e: {  	s1 =	ssub.s32 @!p0 $0x0, s1;
	[sflag:s0] =	ssyncset.done @!p0 $0x0  }
0x8f: {  	[sflag:s0] =	ssyncadd.s32 @!p0 s1  }
0x90: {  	[bflag:$0x3] =	sbarrier.arrive $0xFFFF  }
0x91: {  	_ =	shalt  }

// kernel: sparse-core-data-format-call.cloned.1.call-start
scs
called_computation_lowered:
.L_overlay_start_0:
0x0: {  	s2 =	sld [smem:$0x3FD9]  }
0x1: {  	s3 =	sld [smem:$0x3FFE];
	_ =	sdelay $0x1  }
0x2: {  	s1 =	srdreg.scid  }
0x3: {  	s0 =	sand.u32 $0x1, s1  }
0x4: {  	s18 =	sshll.u32 s0, $0xA;
	s2 =	sadd.s32 s3, s2  }
0x5: {  	s2 =	sadd.s32 s2, s18  }
0x6: {  	[smem:$0x3FC6] =	sst s2  }
0x7: {  	_ = 	snop  }
0x8: {  	s2 =	sld [smem:$0x3FD0];
	(tm) =	ssettm $0x1  }
0x9: {  	s19 =	sld [smem:$0x3FFB];
	_ =	sdelay $0x3  }
0xa: {  	_ =	strace s19  }
0xb: {  	s3 =	sld [smem:$0x3FFC];
	_ =	sdelay $0x3  }
0xc: {  	_ =	strace s3  }
0xd: {  	s3 =	sld [smem:$0x3FFD];
	_ =	sdelay $0x3  }
0xe: {  	_ =	strace s3  }
0xf: {  	_ =	strace $0x8FFFFFFF  }
0x10: {  	s20 =	sld [smem:$0x3FDB];
	_ =	sdelay $0x1  }
0x11: {  	s4 =	simm.s32 $_scs_section_size  }
0x12: {  	s5 =	simm.s32 $_size__tile_overlayer_lowered;
	s6 =	simm.s32 $_tile_overlayer_lowered  }
0x13: {  	s23 =	simm.s32 $0x1BFF;
	s22 =	sshll.u32 s6, $0x1;
	s3 =	sadd.s32 s4, s20  }
0x14: {  	s7 =	simm.s32 $0x0;
	s21 =	sshll.u32 s5, $0x1;
	s5 =	sadd.s32 s22, s3  }
0x15: {  	[timem:s7], [sflag:s23] =	dma.local [hbm:s5], s21  }
0x16: {  	_ =	swait.ge [sflag:s23], s21  }
0x17: {  	s4 =	ssub.s32 $0x0, s21;
	[sflag:s23] =	ssyncset.done $0x0  }
0x18: {  	[sflag:s23] =	ssyncadd.s32 s4;
	_ =	sdelay $0x1  }
0x19: {  	s24 =	simm.s32 $0x1B8B  }
0x1a: {  	_ =	swait.ge [sflag:s24], $0x1  }
0x1b: {  	[sflag:s24] =	ssyncset.done $0x0  }
0x1c: {  	s26 =	simm.s32 $0x1B8E;
	s25 =	sld [smem:$0x3FFE];
	[sflag:s24] =	ssyncadd.s32 $0xFFFFFFFF  }
0x1d: {  	s27 =	simm.s32 $execute0_lowered;
	[smem:$0x3FD2] =	sst s26  }
0x1e: {  	s5 =	sshll.u32 s27, $0x1;
	_ =	strace $0x80000049;
	[dreg:$0x1] =	wrdreg $0xFFFFFFFF  }
0x1f: {  	s28 =	simm.s32 $_size_execute0_lowered;
	s3 =	sadd.s32 s3, s5;
	[dreg:$0x0] =	wrdreg $0x0  }
0x20: {  	s5 =	sshll.u32 s28, $0x1;
	[dreg:$0x2] =	wrdreg s3  }
0x21: {  	[dreg:$0x3] =	wrdreg s5  }
0x22: {  	[dreg:$0x4] =	wrdreg $0xC0  }
0x23: {  	_ =	task [dreg:s7], $0x5FFFF  }
0x24: {  	[dreg:$0x1] =	wrdreg $0xFFFFFFFF  }
0x25: {  	[dreg:$0x0] =	wrdreg $0x60  }
0x26: {  	[dreg:$0x2] =	wrdreg s25  }
0x27: {  	[dreg:$0x3] =	wrdreg s2  }
0x28: {  	[dreg:$0x4] =	wrdreg $0x9  }
0x29: {  	_ =	task.clear_ibuf [dreg:s7], $0x5FFFF;
	_ =	strace $0x90000049  }
0x2a: {  	s29 =	simm.s32 $0x9;
	_ =	strace $0x8000004B  }
0x2b: {  	_ =	swait.ge [sflag:s29], $0x1  }
0x2c: {  	[sflag:s29] =	ssyncadd.s32 $0xFFFFFFFF  }
0x2d: {  	_ =	strace $0x9000004B  }
0x2e: {  	_ =	sfence  }
0x2f: {  	s30 =	sld [smem:$0x0];
	_ =	sdelay $0x2  }
0x30: {  	s31 =	sshll.u32 s1, $0xD;
	s1 =	sshrl.u32 s1, $0x2  }
0x31: {  	s3 =	sand.u32 $0x4000, s31;
	s1 =	sadd.s32 s1, s30  }
0x32: {  	s0 =	sor.u32 s3, s0;
	s1 =	sshll.u32 s1, $0x11  }
0x33: {  	s0 =	sor.u32 s1, s0  }
0x34: {  	s0 =	sadd.s32 $0x8F2B, s0  }
0x35: {  	[sflag:s0] =	ssyncadd.remote.s32 $0x1  }
0x36: {  	_ =	sfence.sel $0xFFFF  }
0x37: {  	[dreg:$0x0] =	wrdreg $0xFFFFFFFF;
	(pc) =	sbr.abs _section_cstart, $3  }
0x38: {  	[dreg:$0x1] =	wrdreg $0xFFFFFFFF  }
0x39: {  	_ =	task.clear_ibuf [dreg:s7], $0x2FFFF;
	_ =	strace $0x9FFFFFFF  }
0x3a: {  	(tm) =	ssettm $0x7FFFFFFF  }
0x3b: {  	_ =	shalt  }
tec
execute0_lowered:
.L_overlay_start_1:
0x0: {  	(tag) =	ssettag $0x1  }
0x1: {  	s0 =	srdreg.scid  }
0x2: {  	s1 =	sshll.u32 s0, $0x4  }
0x3: {  	s0 =	stileid.u32;
	s1 =	sand.u32 $0x10, s1  }
0x4: {  	s1 =	sor.u32 s0, s1  }
0x5: {  	s6 =	rddreg [dreg:$0x0];
	s4 =	simm.s32 $0x1;
	s2 =	sshll.u32 s1, $0x7  }
0x6: {  	s7 =	simm.s32 $0x2;
	s12 =	simm.s32 $0x0;
	s1 =	ssub.s32 $0x1000, s2  }
0x7: {  	s8 =	simm.s32 $0x8000;
	s13 =	simm.s32 $0x0;
	s3 =	sand.u32 $0xF80, s1  }
0x8: {  	s9 =	simm.s32 $0x0;
	s5 =	sshrl.u32 s1, $0xC;
	p0 =	sne.s32 s3, $0x0  }
.Ltmp0:
0x9: {  	s1 =	rddreg [dreg:$0x2];
	s4 =	simm.s32 @!p0 $0x0;
	(pc) =	sbr.rel .LBB1_1-.Ltmp0, $4  }
0xa: {  	s11 =	simm.s32 $0x0;
	s3 =	rddreg [dreg:$0x1];
	s5 =	sadd.s32 s4, s5  }
0xb: {  	_ =	strace $0x8000004A;
	s4 =	simm.s32 $0x1;
	s5 =	smul.u32 $0xC8, s5  }
0xc: {  	s6 =	sadd.s32 $0xA00, s6;
	s10 =	smov.u32 s2;
	[sflag:s4] =	ssyncpa.u1 $0x0  }
0xd: {  	p0 =	por $0x0, $0x0;
	[sflag:s7] =	ssyncpa.u1 $0x0;
	s7 =	sor.u32 $0x1, s5  }
.LBB1_4:
0xe: {  	s16 =	sshll.u32 s13, $0x3;
	s17 =	sand.u32 $0x78, s13  }
0xf: {  	s30 =	sand.u32 $0x7E00, s13;
	s12 =	sshll.u32 s12, $0xF;
	s16 =	sand.u32 $0xC00, s16  }
0x10: {  	[tilespmem:s15+$0x810 ss:$0x81] =	vst.msk $0xffff, v2;
	s31 =	sand.u32 $0x7, s13;
	s16 =	sor.u32 s17, s16;
	s17 =	sadd.s32 s3, s30  }
0x11: {  	[tilespmem:s15+$0x1020 ss:$0x81] =	vst.msk $0xffff, v0;
	s13 =	sshll.u32 s31, $0x12;
	s12 =	sadd.s32 s12, s17;
	s16 =	sshrl.u32 s16, $0x3  }
0x12: {  	[tilespmem:s15+$0x0 ss:$0x81] =	vst.msk $0xffff, v1;
	s13 =	sor.u32 $0x400, s13;
	s12 =	sadd.s32 s16, s12  }
0x13: {  	[hbm4b:s12+s13] =	stream.strided.scatter [tilespmem:s14], [sflag:$0x2], $0x2000, s8, s13, $0x20;
	[tilespmem:$0x8080] =	vst v63  }
.LBB1_5:
0x14: {  	s14 =	sadd.s32 $0x1, s9  }
0x15: {  	s12 =	sadd.s32 $0x1000, s10;
	s16 =	smov.u32 s10;
	p2 =	sgt.s32 s14, $0xC7  }
0x16: {  	s16 =	smov.u32 @p2 s12  }
0x17: {  	s14 =	simm.s32 @p2 $0x0;
	p2 =	sgt.s32 s16, $0xFFF  }
0x18: {  	s16 =	smov.u32 @p2 s2;
	p2 =	sne.s32 s11, s7  }
.Ltmp1:
0x19: {  	p1 =	slt.u32 s11, $0x2;
	(pc) =	sbr.rel @!p2 .LBB1_6-.Ltmp1, $4  }
0x1a: {  	s15 =	simm.s32 @!p1 $0x2  }
0x1b: {  	s13 =	smov.u32 s10;
	p0 =	por !p0, !p0;
	_ =	swait.ge @!p1 [sflag:s15], $0x2000  }
0x1c: {  	s12 =	smov.u32 s9;
	[sflag:s15] =	ssyncset.done @!p1 $0x0;
	s9 =	smov.u32 s14  }
0x1d: {  	s11 =	sadd.s32 $0x1, s11;
	[sflag:s15] =	ssyncadd.s32 @!p1 $0xFFFFE000;
	s10 =	smov.u32 s16  }
.LBB1_1:
0x1e: {  	p1 =	sge.u32 s11, s5  }
0x1f: {  	s14 =	sand.u32 @!p1 $0x1FFFFFF, s9  }
0x20: {  	s15 =	smulhi.u32 @!p1 $0x147AE15, s14;
	_ =	sdelay $0x1  }
0x21: {  	s15 =	smul.u32 @!p1 $0xC8, s15  }
0x22: {  	s16 =	sxor.u32 @!p1 $0xFFFFFFFF, s11;
	s17 =	smul.u32 @!p1 $0xC80, s10  }
0x23: {  	s31 =	sadd.s32 $0xFFFFFFFF, s11;
	s16 =	sshll.u32 @!p1 s16, $0xD;
	s14 =	ssub.s32 @!p1 s14, s15  }
0x24: {  	s15 =	sand.u32 @!p1 $0x2000, s16;
	s16 =	sadd.s32 @!p1 s6, s17;
	s14 =	sshll.u32 @!p1 s14, $0x4  }
0x25: {  	s17 =	simm.s32 @!p1 $0x6400;
	s14 =	sadd.s32 @!p1 s14, s16;
	s16 =	simm.s32 @!p1 $0x40  }
0x26: {  	[tilespmem:s15], [sflag:$0x1] =	stream.strided.gather @!p1 [hbm4b:s14+s16], $0x2000, s17, s16, $0x38;
	[tilespmem:$0x8080] =	vst v63  }
0x27: {  	p1 =	sge.u32 s31, s5  }
.Ltmp2:
0x28: {  	_ = 	snop;
	(pc) =	sbr.rel @p1 .LBB1_5-.Ltmp2, $1  }
0x29: {  	_ =	sdelay $0x3  }
0x2a: {  	s14 =	simm.s32 $0x1  }
0x2b: {  	_ =	swait.ge [sflag:s4], $0x2000;
	s14 =	simm.s32 @!p0 $0x0  }
0x2c: {  	[sflag:s4] =	ssyncset.done $0x0;
	s15 =	sshll.u32 s14, $0xD  }
0x2d: {  	[sflag:s4] =	ssyncadd.s32 $0xFFFFE000;
	s18 =	sor.u32 $0x20, s15  }
0x2e: {  	s14 =	smul.u32 $0x8100, s14;
	v3 =	vld [tilespmem:s18+$0x10]  }
0x2f: {  	s30 =	sand.u32 $0x1, s11;
	v2 =	vld [tilespmem:s18+$0xFFFFFFF0]  }
0x30: {  	s15 =	smul.u32 $0x8100, s30;
	s14 =	sshrl.u32 s14, $0x2;
	v0 =	vld [tilespmem:s18+$0x0]  }
0x31: {  	v1 =	vld [tilespmem:s18+$0xFFFFFFE0];
	s16 =	sor.u32 $0x4000, s14  }
0x32: {  	s31 =	sshrl.u32 s15, $0x2;
	s15 =	sadd.s32 $0x0, s16  }
0x33: {  	s17 =	simm.s32 $0x4;
	s18 =	sadd.s32 $0x40, s18;
	s14 =	sor.u32 $0x4000, s31;
	[tilespmem:s15+$0x1830 ss:$0x81] =	vst.msk $0xffff, v3  }
.LBB1_3:
0x34: {  	v3 =	vld [tilespmem:s18+$0x10];
	p1 =	sne.s32 s17, $0x1FC;
	[tilespmem:s15+$0x810 ss:$0x81] =	vst.msk $0xffff, v2;
	s19 =	smov.u32 s17;
	s17 =	sadd.s32 $0x4, s17  }
.Ltmp3:
0x35: {  	v2 =	vld [tilespmem:s18+$0xFFFFFFF0];
	[tilespmem:s15+$0x1020 ss:$0x81] =	vst.msk $0xffff, v0;
	(pc) =	sbr.rel @p1 .LBB1_3-.Ltmp3, $4  }
0x36: {  	v0 =	vld [tilespmem:s18+$0x0];
	[tilespmem:s15+$0x0 ss:$0x81] =	vst.msk $0xffff, v1  }
0x37: {  	s15 =	sshra.s32 s19, $0x2;
	v1 =	vld [tilespmem:s18+$0xFFFFFFE0]  }
0x38: {  	s15 =	sadd.s32 s15, s16  }
0x39: {  	s18 =	sadd.s32 $0x40, s18;
	[tilespmem:s15+$0x1830 ss:$0x81] =	vst.msk $0xffff, v3  }
.Ltmp4:
0x3a: {  	_ = 	snop;
	(pc) =	sbr.rel .LBB1_4-.Ltmp4, $1  }
0x3b: {  	_ =	sdelay $0x3  }
.LBB1_6:
0x3c: {  	_ =	sfence.sel $0x180000  }
0x3d: {  	s2 =	simm.s32 $0x1;
	[bflag:$0x0] =	sbarrier.arrive $0xFFFF  }
0x3e: {  	s31 =	simm.s32 $0x2;
	[sflag:s2] =	ssyncpa.u1 $0x1  }
0x3f: {  	[sflag:s31] =	ssyncpa.u1 $0x1  }
0x40: {  	p0 =	sne.s32 s0, $0x0;
	_ =	strace $0x9000004A  }
0x41: {  	s0 =	sadd.s32 @!p0 $0x100000, s1;
	[bflag:$0x2] =	sbarrier.arrive $0xFFFF  }
0x42: {  	[sflag:s0] =	ssyncadd.tile.s32 @!p0 $0x1;
	_ =	shalt  }
.Lfunc_end1:
_tile_overlayer_lowered:
.L_overlay_start_2:
0x43: {  	(tag) =	ssettag $0x2  }
0x44: {  	s0 =	rddreg [dreg:$0x0];
	s2 =	stileid.u32  }
0x45: {  	s1 =	rddreg [dreg:$0x1];
	p0 =	sne.s32 s2, $0x0  }
0x46: {  	s3 =	rddreg [dreg:$0x2];
	[bflag:$0x3] =	sbarrier.arrive $0xFFFF;
	s2 =	simm.s32 @!p0 $0x1C01  }
0x47: {  	[timem:s3], [sflag:s2] =	dma.local @!p0 [hbm:s0], s1  }
0x48: {  	s0 =	simm.s32 @!p0 $0x1  }
0x49: {  	_ =	swait.ge @!p0 [sflag:s0], s1  }
0x4a: {  	s1 =	ssub.s32 @!p0 $0x0, s1;
	[sflag:s0] =	ssyncset.done @!p0 $0x0  }
0x4b: {  	[sflag:s0] =	ssyncadd.s32 @!p0 s1  }
0x4c: {  	[bflag:$0x3] =	sbarrier.arrive $0xFFFF  }
0x4d: {  	_ =	shalt  }

</sc_bundles>
